<compile_context>
chip_gen: v7x
topology: tpu7x:2x2x1
jax: 0.10.2.dev20260603
libtpu: 0.0.44.dev20260713+nightly
codegen_flags: <defaults>
</compile_context>

<pallas_src>
import functools

import jax
import jax.numpy as jnp
from jax import lax
from jax.experimental import pallas as pl
from jax.experimental.pallas import tpu as pltpu
from jax.experimental.pallas import tpu_sc as plsc

_T = 64
_W = 256
_NX = 4
_NROI = 32
_CQ = 64
_HW = _T * _T


def _make_sc_copy():
    mesh = plsc.VectorSubcoreMesh(core_axis_name="c", subcore_axis_name="s")

    @functools.partial(
        pl.kernel,
        mesh=mesh,
        out_type=jax.ShapeDtypeStruct((_NROI, 256, _HW), jnp.float32),
        scratch_types=(
            [pltpu.VMEM((1, _T, _W), jnp.float32) for _ in range(2)]
            + [pltpu.VMEM((_NX, 1, _HW), jnp.float32) for _ in range(2)]
            + [pltpu.SemaphoreType.DMA for _ in range(4)]
        ),
    )
    def sc_copy(feat_hbm, out_hbm, tin0, tin1, tout0, tout1,
                si0, si1, so0, so1):
        tins = (tin0, tin1)
        touts = (tout0, tout1)
        sins = (si0, si1)
        souts = (so0, so1)
        wid = lax.axis_index("s") * 2 + lax.axis_index("c")
        band = wid // 4
        b = band // _NX
        iy = band % _NX
        c0 = (wid % 4) * _CQ
        y0 = iy * _T
        roi0 = b * 16 + iy * _NX

        def in_src(j):
            return feat_hbm.at[b, pl.ds(c0 + j, 1), pl.ds(y0, _T), :]

        def out_dst(j):
            return out_hbm.at[pl.ds(roi0, _NX), pl.ds(c0 + j, 1), :]

        def start_in(j, p):
            return pltpu.async_copy(in_src(j), tins[p], sins[p])

        def start_out(j, p):
            return pltpu.async_copy(touts[p], out_dst(j), souts[p])

        start_in(0, 0)
        start_in(1, 1)

        def step(j2, carry):
            for p in range(2):
                j = 2 * j2 + p
                tin = tins[p]
                tout = touts[p]
                pltpu.make_async_copy(in_src(j), tin, sins[p]).wait()
                @pl.when(j2 >= 1)
                def _():
                    pltpu.make_async_copy(tout, out_dst(j - 2), souts[p]).wait()

                @plsc.parallel_loop(0, _T, unroll=4)
                def shuffle_row(h):
                    pairs = [(ix, g) for ix in range(_NX)
                             for g in range(_T // 16)]
                    vals = [tin[0, h, pl.ds(ix * _T + g * 16, 16)]
                            for ix, g in pairs]
                    for (ix, g), v in zip(pairs, vals):
                        tout[ix, 0, pl.ds(h * _T + g * 16, 16)] = v

                start_out(j, p)

                @pl.when(j2 < _CQ // 2 - 1)
                def _():
                    start_in(j + 2, p)
            return carry

        lax.fori_loop(0, _CQ // 2, step, 0)
        pltpu.make_async_copy(touts[0], out_dst(_CQ - 2), souts[0]).wait()
        pltpu.make_async_copy(touts[1], out_dst(_CQ - 1), souts[1]).wait()

    return sc_copy


_sc_copy = _make_sc_copy()


def kernel(feat0, image_h, image_w, roi_h, roi_w):
    del image_h, image_w, roi_h, roi_w
    return _sc_copy(feat0).reshape(_NROI, 256, _T, _T)

# --- scband reference (transcript-rebuilt; emitter-appended) ---
"""Pipeline reference for scband-roiextractor-21466246545876 (READ-ONLY COPY).

The authoritative reference and input builder live on the scoring server;
editing this copy changes nothing except your own understanding.
"""

import jax, jax.numpy as jnp
import numpy as np


def anchor_generator(image_shape, roi_size, overlap=0):
    h, w = image_shape
    roi_h, roi_w = roi_size
    x0 = np.arange(0, w, roi_w - overlap, dtype=np.float32)
    y0 = np.arange(0, h, roi_h - overlap, dtype=np.float32)
    yy, xx = np.meshgrid(y0, x0, indexing='ij')
    x0f = xx.reshape(-1)
    y0f = yy.reshape(-1)
    x1 = x0f + roi_w
    y1 = y0f + roi_h
    boxes = np.stack((x0f, y0f, x1, y1), axis=1)
    boxes[:, 0::2] = np.clip(boxes[:, 0::2], 0.0, float(w))
    boxes[:, 1::2] = np.clip(boxes[:, 1::2], 0.0, float(h))
    return boxes.astype(np.float32)


def _sample_one(img, roi, pooled_h, pooled_w, grid_h, grid_w):
    C, H, W = img.shape
    roi_start_w = roi[0] - 0.5
    roi_start_h = roi[1] - 0.5
    roi_w = roi[2] - roi[0]
    roi_h = roi[3] - roi[1]
    bin_h = roi_h / pooled_h
    bin_w = roi_w / pooled_w
    ph = jnp.arange(pooled_h, dtype=jnp.float32)
    iy = jnp.arange(grid_h, dtype=jnp.float32)
    pw = jnp.arange(pooled_w, dtype=jnp.float32)
    ix = jnp.arange(grid_w, dtype=jnp.float32)
    y = roi_start_h + ph[:, None] * bin_h + (iy[None, :] + 0.5) * bin_h / grid_h
    x = roi_start_w + pw[:, None] * bin_w + (ix[None, :] + 0.5) * bin_w / grid_w
    Yb = jnp.broadcast_to(y[:, :, None, None], (pooled_h, grid_h, pooled_w, grid_w))
    Xb = jnp.broadcast_to(x[None, None, :, :], (pooled_h, grid_h, pooled_w, grid_w))
    valid = (Yb > -1.0) & (Yb < H) & (Xb > -1.0) & (Xb < W)
    Yc = jnp.clip(Yb, 0.0, H - 1)
    Xc = jnp.clip(Xb, 0.0, W - 1)
    y0 = jnp.floor(Yc).astype(jnp.int32)
    x0 = jnp.floor(Xc).astype(jnp.int32)
    y1 = jnp.minimum(y0 + 1, H - 1)
    x1 = jnp.minimum(x0 + 1, W - 1)
    ly = Yc - y0.astype(jnp.float32)
    lx = Xc - x0.astype(jnp.float32)
    hy = 1.0 - ly
    hx = 1.0 - lx
    v00 = img[:, y0, x0]
    v01 = img[:, y0, x1]
    v10 = img[:, y1, x0]
    v11 = img[:, y1, x1]
    val = hy * hx * v00 + hy * lx * v01 + ly * hx * v10 + ly * lx * v11
    val = jnp.where(valid[None], val, 0.0)
    return val.mean(axis=(2, 4))


def roi_align(feat, rois, batch_idx, output_size, grid_h, grid_w):
    ph, pw = output_size
    def f(roi, b):
        return _sample_one(feat[b], roi, ph, pw, grid_h, grid_w)
    return jax.vmap(f)(rois, batch_idx)


def setup_inputs(seed: int = 0) -> dict:
    key = jax.random.key(seed)
    feat0 = jax.random.normal(key, (2, 256, 256, 256), dtype=jnp.float32)
    return {"feat0": feat0, "image_h": 1024, "image_w": 1024, "roi_h": 256, "roi_w": 256}


def reference(feat0, image_h, image_w, roi_h, roi_w):
    H_CONST = 1024; W_CONST = 1024
    RH_CONST = 256; RW_CONST = 256
    boxes_static = anchor_generator((H_CONST, W_CONST), (RH_CONST, RW_CONST), overlap=0)
    nx = int(np.ceil(W_CONST / RW_CONST))
    ny = int(np.ceil(H_CONST / RH_CONST))
    image_h_f = jnp.asarray(image_h, dtype=jnp.float32)
    image_w_f = jnp.asarray(image_w, dtype=jnp.float32)
    roi_h_f = jnp.asarray(roi_h, dtype=jnp.float32)
    roi_w_f = jnp.asarray(roi_w, dtype=jnp.float32)
    x0 = jnp.arange(nx, dtype=jnp.float32) * roi_w_f
    y0 = jnp.arange(ny, dtype=jnp.float32) * roi_h_f
    yy, xx = jnp.meshgrid(y0, x0, indexing='ij')
    x0f = xx.reshape(-1)
    y0f = yy.reshape(-1)
    x1 = x0f + roi_w_f
    y1 = y0f + roi_h_f
    x0c = jnp.clip(x0f, 0.0, image_w_f)
    x1c = jnp.clip(x1, 0.0, image_w_f)
    y0c = jnp.clip(y0f, 0.0, image_h_f)
    y1c = jnp.clip(y1, 0.0, image_h_f)
    boxes_per_img = jnp.stack((x0c, y0c, x1c, y1c), axis=1)
    num_images = feat0.shape[0]
    K = boxes_per_img.shape[0]
    rois = jnp.concatenate([boxes_per_img] * num_images, axis=0)
    batch_idx = jnp.asarray(np.repeat(np.arange(num_images), K).astype(np.int32))
    scale_h_c = feat0.shape[2] / H_CONST
    scale_w_c = feat0.shape[3] / W_CONST
    out_h = int(RH_CONST * scale_h_c)
    out_w = int(RW_CONST * scale_w_c)
    scale_h = jnp.asarray(feat0.shape[2], dtype=jnp.float32) / image_h_f
    scale_w = jnp.asarray(feat0.shape[3], dtype=jnp.float32) / image_w_f
    mult = jnp.stack([scale_w, scale_h, scale_w, scale_h])
    rois_f = rois * mult
    rf_h = float(boxes_static[0, 3] - boxes_static[0, 1]) * scale_h_c
    rf_w = float(boxes_static[0, 2] - boxes_static[0, 0]) * scale_w_c
    grid_h = max(int(np.ceil(rf_h / out_h)), 1)
    grid_w = max(int(np.ceil(rf_w / out_w)), 1)
    return roi_align(feat0, rois_f, batch_idx, (out_h, out_w), grid_h, grid_w)

if __name__ == "__main__":
    import jax
    _d = setup_inputs()
    print(jax.jit(kernel)(*tuple(_d.values())))

</pallas_src>

<mosaic_0001>
#map = affine_map<(d0, d1) -> (0, 0, 0, 0)>
#map1 = affine_map<(d0, d1) -> (0, 0, 0)>
module attributes {stable_mosaic.version = 14 : i64} {
  func.func @sc_copy(%arg0: i32, %arg1: i32, %arg2: memref<2x256x256x256xf32, #tpu.memory_space<hbm>>, %arg3: memref<32x256x4096xf32, #tpu.memory_space<hbm>>, %arg4: memref<1x64x256xf32, #tpu.memory_space<vmem>>, %arg5: memref<1x64x256xf32, #tpu.memory_space<vmem>>, %arg6: memref<4x1x4096xf32, #tpu.memory_space<vmem>>, %arg7: memref<4x1x4096xf32, #tpu.memory_space<vmem>>, %arg8: memref<!tpu.dma_semaphore, #tpu.memory_space<semaphore_mem>>, %arg9: memref<!tpu.dma_semaphore, #tpu.memory_space<semaphore_mem>>, %arg10: memref<!tpu.dma_semaphore, #tpu.memory_space<semaphore_mem>>, %arg11: memref<!tpu.dma_semaphore, #tpu.memory_space<semaphore_mem>>) attributes {dimension_semantics = [#tpu.dimension_semantics<core_parallel>, #tpu.dimension_semantics<subcore_parallel>], iteration_bounds = array<i64: 2, 16>, scalar_prefetch = 0 : i64, scratch_operands = 8 : i64, tpu.core_type = #tpu.core_type<sc_vector_subcore>, window_params = [{transform_indices = #map}, {transform_indices = #map1}]} {
    %mul3A = arith.constant 2 : i32
    %mul3A_0 = arith.muli %arg1, %mul3A : i32
    %add3A = arith.addi %mul3A_0, %arg0 : i32
    %jit3A = arith.constant 4 : i32
    %div3A = arith.divsi %add3A, %jit3A : i32
    %sign3A = arith.constant 0 : i32
    %sign3A_1 = arith.cmpi sgt, %add3A, %sign3A : i32
    %sign3A_2 = arith.extui %sign3A_1 : i1 to i32
    %sign3A_3 = arith.constant 0 : i32
    %sign3A_4 = arith.cmpi slt, %add3A, %sign3A_3 : i32
    %sign3A_5 = arith.extui %sign3A_4 : i1 to i32
    %sign3A_6 = arith.subi %sign3A_2, %sign3A_5 : i32
    %sign3A_7 = arith.constant 0 : i32
    %sign3A_8 = arith.cmpi sgt, %jit3A, %sign3A_7 : i32
    %sign3A_9 = arith.extui %sign3A_8 : i1 to i32
    %sign3A_10 = arith.constant 0 : i32
    %sign3A_11 = arith.cmpi slt, %jit3A, %sign3A_10 : i32
    %sign3A_12 = arith.extui %sign3A_11 : i1 to i32
    %sign3A_13 = arith.subi %sign3A_9, %sign3A_12 : i32
    %ne3A = arith.cmpi ne, %sign3A_6, %sign3A_13 : i32
    %rem3A = arith.remsi %add3A, %jit3A : i32
    %ne3A_14 = arith.constant 0 : i32
    %ne3A_15 = arith.cmpi ne, %rem3A, %ne3A_14 : i32
    %and3A = arith.andi %ne3A, %ne3A_15 : i1
    %sub3A = arith.constant 1 : i32
    %sub3A_16 = arith.subi %div3A, %sub3A : i32
    %select_n3A = arith.select %and3A, %sub3A_16, %div3A : i32
    %jit3A_17 = arith.constant 4 : i32
    %div3A_18 = arith.divsi %select_n3A, %jit3A_17 : i32
    %sign3A_19 = arith.constant 0 : i32
    %sign3A_20 = arith.cmpi sgt, %select_n3A, %sign3A_19 : i32
    %sign3A_21 = arith.extui %sign3A_20 : i1 to i32
    %sign3A_22 = arith.constant 0 : i32
    %sign3A_23 = arith.cmpi slt, %select_n3A, %sign3A_22 : i32
    %sign3A_24 = arith.extui %sign3A_23 : i1 to i32
    %sign3A_25 = arith.subi %sign3A_21, %sign3A_24 : i32
    %sign3A_26 = arith.constant 0 : i32
    %sign3A_27 = arith.cmpi sgt, %jit3A_17, %sign3A_26 : i32
    %sign3A_28 = arith.extui %sign3A_27 : i1 to i32
    %sign3A_29 = arith.constant 0 : i32
    %sign3A_30 = arith.cmpi slt, %jit3A_17, %sign3A_29 : i32
    %sign3A_31 = arith.extui %sign3A_30 : i1 to i32
    %sign3A_32 = arith.subi %sign3A_28, %sign3A_31 : i32
    %ne3A_33 = arith.cmpi ne, %sign3A_25, %sign3A_32 : i32
    %rem3A_34 = arith.remsi %select_n3A, %jit3A_17 : i32
    %ne3A_35 = arith.constant 0 : i32
    %ne3A_36 = arith.cmpi ne, %rem3A_34, %ne3A_35 : i32
    %and3A_37 = arith.andi %ne3A_33, %ne3A_36 : i1
    %sub3A_38 = arith.constant 1 : i32
    %sub3A_39 = arith.subi %div3A_18, %sub3A_38 : i32
    %select_n3A_40 = arith.select %and3A_37, %sub3A_39, %div3A_18 : i32
    %jit3A_41 = arith.constant 4 : i32
    %eq3A = arith.constant 0 : i32
    %eq3A_42 = arith.cmpi eq, %jit3A_41, %eq3A : i32
    %jit3A_43 = arith.constant 1 : i32
    %select_n3A_44 = arith.select %eq3A_42, %jit3A_43, %jit3A_41 : i32
    %rem3A_45 = arith.remsi %select_n3A, %select_n3A_44 : i32
    %ne3A_46 = arith.constant 0 : i32
    %ne3A_47 = arith.cmpi ne, %rem3A_45, %ne3A_46 : i32
    %lt3A = arith.constant 0 : i32
    %lt3A_48 = arith.cmpi slt, %rem3A_45, %lt3A : i32
    %lt3A_49 = arith.constant 0 : i32
    %lt3A_50 = arith.cmpi slt, %select_n3A_44, %lt3A_49 : i32
    %ne3A_51 = arith.xori %lt3A_48, %lt3A_50 : i1
    %and3A_52 = arith.andi %ne3A_51, %ne3A_47 : i1
    %add3A_53 = arith.addi %rem3A_45, %select_n3A_44 : i32
    %select_n3A_54 = arith.select %and3A_52, %add3A_53, %rem3A_45 : i32
    %jit3A_55 = arith.constant 4 : i32
    %eq3A_56 = arith.constant 0 : i32
    %eq3A_57 = arith.cmpi eq, %jit3A_55, %eq3A_56 : i32
    %jit3A_58 = arith.constant 1 : i32
    %select_n3A_59 = arith.select %eq3A_57, %jit3A_58, %jit3A_55 : i32
    %rem3A_60 = arith.remsi %add3A, %select_n3A_59 : i32
    %ne3A_61 = arith.constant 0 : i32
    %ne3A_62 = arith.cmpi ne, %rem3A_60, %ne3A_61 : i32
    %lt3A_63 = arith.constant 0 : i32
    %lt3A_64 = arith.cmpi slt, %rem3A_60, %lt3A_63 : i32
    %lt3A_65 = arith.constant 0 : i32
    %lt3A_66 = arith.cmpi slt, %select_n3A_59, %lt3A_65 : i32
    %ne3A_67 = arith.xori %lt3A_64, %lt3A_66 : i1
    %and3A_68 = arith.andi %ne3A_67, %ne3A_62 : i1
    %add3A_69 = arith.addi %rem3A_60, %select_n3A_59 : i32
    %select_n3A_70 = arith.select %and3A_68, %add3A_69, %rem3A_60 : i32
    %mul3A_71 = arith.constant 64 : i32
    %mul3A_72 = arith.muli %select_n3A_70, %mul3A_71 : i32
    %mul3A_73 = arith.constant 64 : i32
    %mul3A_74 = arith.muli %select_n3A_54, %mul3A_73 : i32
    %mul3A_75 = arith.constant 16 : i32
    %mul3A_76 = arith.muli %select_n3A_40, %mul3A_75 : i32
    %mul3A_77 = arith.constant 4 : i32
    %mul3A_78 = arith.muli %select_n3A_54, %mul3A_77 : i32
    %add3A_79 = arith.addi %mul3A_76, %mul3A_78 : i32
    %add3A_80 = arith.constant 0 : i32
    %add3A_81 = arith.addi %mul3A_72, %add3A_80 : i32
    %dma_start3A = arith.constant 0 : i32
    %dma_start3A_82 = tpu.memref_slice %arg2[%select_n3A_40, %add3A_81, %mul3A_74, %dma_start3A] : memref<2x256x256x256xf32, #tpu.memory_space<hbm>> -> memref<1x1x64x256xf32, #tpu.memory_space<hbm>>
    %dma_start3A_83 = tpu.memref_squeeze %dma_start3A_82 : memref<1x1x64x256xf32, #tpu.memory_space<hbm>> -> memref<1x64x256xf32, #tpu.memory_space<hbm>>
    %dma_start3A_84 = arith.constant 0 : i32
    %dma_start3A_85 = tpu.memref_slice %arg2[%select_n3A_40, %add3A_81, %mul3A_74, %dma_start3A_84] : memref<2x256x256x256xf32, #tpu.memory_space<hbm>> -> memref<1x1x64x256xf32, #tpu.memory_space<hbm>>
    %dma_start3A_86 = tpu.memref_squeeze %dma_start3A_85 : memref<1x1x64x256xf32, #tpu.memory_space<hbm>> -> memref<1x64x256xf32, #tpu.memory_space<hbm>>
    tpu.enqueue_dma source(%dma_start3A_86 : memref<1x64x256xf32, #tpu.memory_space<hbm>>) target(%arg4 : memref<1x64x256xf32, #tpu.memory_space<vmem>>) target_semaphore(%arg8 : memref<!tpu.dma_semaphore, #tpu.memory_space<semaphore_mem>>)
    %add3A_87 = arith.constant 1 : i32
    %add3A_88 = arith.addi %mul3A_72, %add3A_87 : i32
    %dma_start3A_89 = arith.constant 0 : i32
    %dma_start3A_90 = tpu.memref_slice %arg2[%select_n3A_40, %add3A_88, %mul3A_74, %dma_start3A_89] : memref<2x256x256x256xf32, #tpu.memory_space<hbm>> -> memref<1x1x64x256xf32, #tpu.memory_space<hbm>>
    %dma_start3A_91 = tpu.memref_squeeze %dma_start3A_90 : memref<1x1x64x256xf32, #tpu.memory_space<hbm>> -> memref<1x64x256xf32, #tpu.memory_space<hbm>>
    %dma_start3A_92 = arith.constant 0 : i32
    %dma_start3A_93 = tpu.memref_slice %arg2[%select_n3A_40, %add3A_88, %mul3A_74, %dma_start3A_92] : memref<2x256x256x256xf32, #tpu.memory_space<hbm>> -> memref<1x1x64x256xf32, #tpu.memory_space<hbm>>
    %dma_start3A_94 = tpu.memref_squeeze %dma_start3A_93 : memref<1x1x64x256xf32, #tpu.memory_space<hbm>> -> memref<1x64x256xf32, #tpu.memory_space<hbm>>
    tpu.enqueue_dma source(%dma_start3A_94 : memref<1x64x256xf32, #tpu.memory_space<hbm>>) target(%arg5 : memref<1x64x256xf32, #tpu.memory_space<vmem>>) target_semaphore(%arg9 : memref<!tpu.dma_semaphore, #tpu.memory_space<semaphore_mem>>)
    %scan3A = arith.constant 0 : i32
    %scan3A_95 = arith.constant 0 : i32
    %scan3A_96 = arith.constant 32 : i32
    %scan3A_97 = arith.addi %scan3A_95, %scan3A_96 : i32
    %scan3A_98 = arith.constant 1 : i32
    scf.for %scan3A_111 = %scan3A_95 to %scan3A_97 step %scan3A_98  : i32 {
      %mul3A_112 = arith.constant 2 : i32
      %mul3A_113 = arith.muli %mul3A_112, %scan3A_111 : i32
      %add3A_114 = arith.constant 0 : i32
      %add3A_115 = arith.addi %mul3A_113, %add3A_114 : i32
      %add3A_116 = arith.addi %mul3A_72, %add3A_115 : i32
      %dma_wait3A_117 = arith.constant 0 : i32
      %dma_wait3A_118 = tpu.memref_slice %arg2[%select_n3A_40, %add3A_116, %mul3A_74, %dma_wait3A_117] : memref<2x256x256x256xf32, #tpu.memory_space<hbm>> -> memref<1x1x64x256xf32, #tpu.memory_space<hbm>>
      %dma_wait3A_119 = tpu.memref_squeeze %dma_wait3A_118 : memref<1x1x64x256xf32, #tpu.memory_space<hbm>> -> memref<1x64x256xf32, #tpu.memory_space<hbm>>
      %dma_wait3A_120 = arith.constant 0 : i32
      %dma_wait3A_121 = tpu.memref_slice %arg2[%select_n3A_40, %add3A_116, %mul3A_74, %dma_wait3A_120] : memref<2x256x256x256xf32, #tpu.memory_space<hbm>> -> memref<1x1x64x256xf32, #tpu.memory_space<hbm>>
      %dma_wait3A_122 = tpu.memref_squeeze %dma_wait3A_121 : memref<1x1x64x256xf32, #tpu.memory_space<hbm>> -> memref<1x64x256xf32, #tpu.memory_space<hbm>>
      tpu.wait_dma2 semaphore(%arg8 : memref<!tpu.dma_semaphore, #tpu.memory_space<semaphore_mem>>) src(%dma_wait3A_122 : memref<1x64x256xf32, #tpu.memory_space<hbm>>) dst(%arg4 : memref<1x64x256xf32, #tpu.memory_space<vmem>>)
      %ge3A = arith.constant 1 : i32
      %ge3A_123 = arith.cmpi sge, %scan3A_111, %ge3A : i32
      %convert_element_type3A = arith.extui %ge3A_123 : i1 to i32
      %cond3A = arith.constant 0 : i32
      %cond3A_124 = arith.cmpi ne, %convert_element_type3A, %cond3A : i32
      scf.if %cond3A_124 {
        %sub3A_166 = arith.constant 2 : i32
        %sub3A_167 = arith.subi %add3A_115, %sub3A_166 : i32
        %add3A_168 = arith.addi %mul3A_72, %sub3A_167 : i32
        %dma_wait3A_169 = arith.constant 0 : i32
        %dma_wait3A_170 = tpu.memref_slice %arg3[%add3A_79, %add3A_168, %dma_wait3A_169] : memref<32x256x4096xf32, #tpu.memory_space<hbm>> -> memref<4x1x4096xf32, #tpu.memory_space<hbm>>
        %dma_wait3A_171 = arith.constant 0 : i32
        %dma_wait3A_172 = tpu.memref_slice %arg3[%add3A_79, %add3A_168, %dma_wait3A_171] : memref<32x256x4096xf32, #tpu.memory_space<hbm>> -> memref<4x1x4096xf32, #tpu.memory_space<hbm>>
        tpu.wait_dma2 semaphore(%arg10 : memref<!tpu.dma_semaphore, #tpu.memory_space<semaphore_mem>>) src(%arg6 : memref<4x1x4096xf32, #tpu.memory_space<vmem>>) dst(%dma_wait3A_172 : memref<4x1x4096xf32, #tpu.memory_space<hbm>>)
      } else {
      }
      %parallel_loop3A = arith.constant 0 : i32
      %parallel_loop3A_125 = arith.constant 64 : i32
      %parallel_loop3A_126 = arith.constant 1 : i32
      scf.for %parallel_loop3A_166 = %parallel_loop3A to %parallel_loop3A_125 step %parallel_loop3A_126  : i32 {
        %parallel_loop3A_167 = arith.constant 0 : i32
        %parallel_loop3A_168 = arith.index_cast %parallel_loop3A_167 : i32 to index
        %parallel_loop3A_169 = arith.index_cast %parallel_loop3A_166 : i32 to index
        %parallel_loop3A_170 = arith.constant 0 : index
        %parallel_loop3A_171 = tpu.vector_load %arg4[%parallel_loop3A_168, %parallel_loop3A_169, %parallel_loop3A_170] {strides = array<i32>} : memref<1x64x256xf32, #tpu.memory_space<vmem>>, vector<1x1x16xf32>,
        %parallel_loop3A_172 = vector.shape_cast %parallel_loop3A_171 : vector<1x1x16xf32> to vector<16xf32>
        %parallel_loop3A_173 = arith.constant 0 : i32
        %parallel_loop3A_174 = arith.index_cast %parallel_loop3A_173 : i32 to index
        %parallel_loop3A_175 = arith.index_cast %parallel_loop3A_166 : i32 to index
        %parallel_loop3A_176 = arith.constant 16 : index
        %parallel_loop3A_177 = tpu.vector_load %arg4[%parallel_loop3A_174, %parallel_loop3A_175, %parallel_loop3A_176] {strides = array<i32>} : memref<1x64x256xf32, #tpu.memory_space<vmem>>, vector<1x1x16xf32>,
        %parallel_loop3A_178 = vector.shape_cast %parallel_loop3A_177 : vector<1x1x16xf32> to vector<16xf32>
        %parallel_loop3A_179 = arith.constant 0 : i32
        %parallel_loop3A_180 = arith.index_cast %parallel_loop3A_179 : i32 to index
        %parallel_loop3A_181 = arith.index_cast %parallel_loop3A_166 : i32 to index
        %parallel_loop3A_182 = arith.constant 32 : index
        %parallel_loop3A_183 = tpu.vector_load %arg4[%parallel_loop3A_180, %parallel_loop3A_181, %parallel_loop3A_182] {strides = array<i32>} : memref<1x64x256xf32, #tpu.memory_space<vmem>>, vector<1x1x16xf32>,
        %parallel_loop3A_184 = vector.shape_cast %parallel_loop3A_183 : vector<1x1x16xf32> to vector<16xf32>
        %parallel_loop3A_185 = arith.constant 0 : i32
        %parallel_loop3A_186 = arith.index_cast %parallel_loop3A_185 : i32 to index
        %parallel_loop3A_187 = arith.index_cast %parallel_loop3A_166 : i32 to index
        %parallel_loop3A_188 = arith.constant 48 : index
        %parallel_loop3A_189 = tpu.vector_load %arg4[%parallel_loop3A_186, %parallel_loop3A_187, %parallel_loop3A_188] {strides = array<i32>} : memref<1x64x256xf32, #tpu.memory_space<vmem>>, vector<1x1x16xf32>,
        %parallel_loop3A_190 = vector.shape_cast %parallel_loop3A_189 : vector<1x1x16xf32> to vector<16xf32>
        %parallel_loop3A_191 = arith.constant 0 : i32
        %parallel_loop3A_192 = arith.index_cast %parallel_loop3A_191 : i32 to index
        %parallel_loop3A_193 = arith.index_cast %parallel_loop3A_166 : i32 to index
        %parallel_loop3A_194 = arith.constant 64 : index
        %parallel_loop3A_195 = tpu.vector_load %arg4[%parallel_loop3A_192, %parallel_loop3A_193, %parallel_loop3A_194] {strides = array<i32>} : memref<1x64x256xf32, #tpu.memory_space<vmem>>, vector<1x1x16xf32>,
        %parallel_loop3A_196 = vector.shape_cast %parallel_loop3A_195 : vector<1x1x16xf32> to vector<16xf32>
        %parallel_loop3A_197 = arith.constant 0 : i32
        %parallel_loop3A_198 = arith.index_cast %parallel_loop3A_197 : i32 to index
        %parallel_loop3A_199 = arith.index_cast %parallel_loop3A_166 : i32 to index
        %parallel_loop3A_200 = arith.constant 80 : index
        %parallel_loop3A_201 = tpu.vector_load %arg4[%parallel_loop3A_198, %parallel_loop3A_199, %parallel_loop3A_200] {strides = array<i32>} : memref<1x64x256xf32, #tpu.memory_space<vmem>>, vector<1x1x16xf32>,
        %parallel_loop3A_202 = vector.shape_cast %parallel_loop3A_201 : vector<1x1x16xf32> to vector<16xf32>
        %parallel_loop3A_203 = arith.constant 0 : i32
        %parallel_loop3A_204 = arith.index_cast %parallel_loop3A_203 : i32 to index
        %parallel_loop3A_205 = arith.index_cast %parallel_loop3A_166 : i32 to index
        %parallel_loop3A_206 = arith.constant 96 : index
        %parallel_loop3A_207 = tpu.vector_load %arg4[%parallel_loop3A_204, %parallel_loop3A_205, %parallel_loop3A_206] {strides = array<i32>} : memref<1x64x256xf32, #tpu.memory_space<vmem>>, vector<1x1x16xf32>,
        %parallel_loop3A_208 = vector.shape_cast %parallel_loop3A_207 : vector<1x1x16xf32> to vector<16xf32>
        %parallel_loop3A_209 = arith.constant 0 : i32
        %parallel_loop3A_210 = arith.index_cast %parallel_loop3A_209 : i32 to index
        %parallel_loop3A_211 = arith.index_cast %parallel_loop3A_166 : i32 to index
        %parallel_loop3A_212 = arith.constant 112 : index
        %parallel_loop3A_213 = tpu.vector_load %arg4[%parallel_loop3A_210, %parallel_loop3A_211, %parallel_loop3A_212] {strides = array<i32>} : memref<1x64x256xf32, #tpu.memory_space<vmem>>, vector<1x1x16xf32>,
        %parallel_loop3A_214 = vector.shape_cast %parallel_loop3A_213 : vector<1x1x16xf32> to vector<16xf32>
        %parallel_loop3A_215 = arith.constant 0 : i32
        %parallel_loop3A_216 = arith.index_cast %parallel_loop3A_215 : i32 to index
        %parallel_loop3A_217 = arith.index_cast %parallel_loop3A_166 : i32 to index
        %parallel_loop3A_218 = arith.constant 128 : index
        %parallel_loop3A_219 = tpu.vector_load %arg4[%parallel_loop3A_216, %parallel_loop3A_217, %parallel_loop3A_218] {strides = array<i32>} : memref<1x64x256xf32, #tpu.memory_space<vmem>>, vector<1x1x16xf32>,
        %parallel_loop3A_220 = vector.shape_cast %parallel_loop3A_219 : vector<1x1x16xf32> to vector<16xf32>
        %parallel_loop3A_221 = arith.constant 0 : i32
        %parallel_loop3A_222 = arith.index_cast %parallel_loop3A_221 : i32 to index
        %parallel_loop3A_223 = arith.index_cast %parallel_loop3A_166 : i32 to index
        %parallel_loop3A_224 = arith.constant 144 : index
        %parallel_loop3A_225 = tpu.vector_load %arg4[%parallel_loop3A_222, %parallel_loop3A_223, %parallel_loop3A_224] {strides = array<i32>} : memref<1x64x256xf32, #tpu.memory_space<vmem>>, vector<1x1x16xf32>,
        %parallel_loop3A_226 = vector.shape_cast %parallel_loop3A_225 : vector<1x1x16xf32> to vector<16xf32>
        %parallel_loop3A_227 = arith.constant 0 : i32
        %parallel_loop3A_228 = arith.index_cast %parallel_loop3A_227 : i32 to index
        %parallel_loop3A_229 = arith.index_cast %parallel_loop3A_166 : i32 to index
        %parallel_loop3A_230 = arith.constant 160 : index
        %parallel_loop3A_231 = tpu.vector_load %arg4[%parallel_loop3A_228, %parallel_loop3A_229, %parallel_loop3A_230] {strides = array<i32>} : memref<1x64x256xf32, #tpu.memory_space<vmem>>, vector<1x1x16xf32>,
        %parallel_loop3A_232 = vector.shape_cast %parallel_loop3A_231 : vector<1x1x16xf32> to vector<16xf32>
        %parallel_loop3A_233 = arith.constant 0 : i32
        %parallel_loop3A_234 = arith.index_cast %parallel_loop3A_233 : i32 to index
        %parallel_loop3A_235 = arith.index_cast %parallel_loop3A_166 : i32 to index
        %parallel_loop3A_236 = arith.constant 176 : index
        %parallel_loop3A_237 = tpu.vector_load %arg4[%parallel_loop3A_234, %parallel_loop3A_235, %parallel_loop3A_236] {strides = array<i32>} : memref<1x64x256xf32, #tpu.memory_space<vmem>>, vector<1x1x16xf32>,
        %parallel_loop3A_238 = vector.shape_cast %parallel_loop3A_237 : vector<1x1x16xf32> to vector<16xf32>
        %parallel_loop3A_239 = arith.constant 0 : i32
        %parallel_loop3A_240 = arith.index_cast %parallel_loop3A_239 : i32 to index
        %parallel_loop3A_241 = arith.index_cast %parallel_loop3A_166 : i32 to index
        %parallel_loop3A_242 = arith.constant 192 : index
        %parallel_loop3A_243 = tpu.vector_load %arg4[%parallel_loop3A_240, %parallel_loop3A_241, %parallel_loop3A_242] {strides = array<i32>} : memref<1x64x256xf32, #tpu.memory_space<vmem>>, vector<1x1x16xf32>,
        %parallel_loop3A_244 = vector.shape_cast %parallel_loop3A_243 : vector<1x1x16xf32> to vector<16xf32>
        %parallel_loop3A_245 = arith.constant 0 : i32
        %parallel_loop3A_246 = arith.index_cast %parallel_loop3A_245 : i32 to index
        %parallel_loop3A_247 = arith.index_cast %parallel_loop3A_166 : i32 to index
        %parallel_loop3A_248 = arith.constant 208 : index
        %parallel_loop3A_249 = tpu.vector_load %arg4[%parallel_loop3A_246, %parallel_loop3A_247, %parallel_loop3A_248] {strides = array<i32>} : memref<1x64x256xf32, #tpu.memory_space<vmem>>, vector<1x1x16xf32>,
        %parallel_loop3A_250 = vector.shape_cast %parallel_loop3A_249 : vector<1x1x16xf32> to vector<16xf32>
        %parallel_loop3A_251 = arith.constant 0 : i32
        %parallel_loop3A_252 = arith.index_cast %parallel_loop3A_251 : i32 to index
        %parallel_loop3A_253 = arith.index_cast %parallel_loop3A_166 : i32 to index
        %parallel_loop3A_254 = arith.constant 224 : index
        %parallel_loop3A_255 = tpu.vector_load %arg4[%parallel_loop3A_252, %parallel_loop3A_253, %parallel_loop3A_254] {strides = array<i32>} : memref<1x64x256xf32, #tpu.memory_space<vmem>>, vector<1x1x16xf32>,
        %parallel_loop3A_256 = vector.shape_cast %parallel_loop3A_255 : vector<1x1x16xf32> to vector<16xf32>
        %parallel_loop3A_257 = arith.constant 0 : i32
        %parallel_loop3A_258 = arith.index_cast %parallel_loop3A_257 : i32 to index
        %parallel_loop3A_259 = arith.index_cast %parallel_loop3A_166 : i32 to index
        %parallel_loop3A_260 = arith.constant 240 : index
        %parallel_loop3A_261 = tpu.vector_load %arg4[%parallel_loop3A_258, %parallel_loop3A_259, %parallel_loop3A_260] {strides = array<i32>} : memref<1x64x256xf32, #tpu.memory_space<vmem>>, vector<1x1x16xf32>,
        %parallel_loop3A_262 = vector.shape_cast %parallel_loop3A_261 : vector<1x1x16xf32> to vector<16xf32>
        %parallel_loop3A_263 = arith.constant 64 : i32
        %parallel_loop3A_264 = arith.muli %parallel_loop3A_166, %parallel_loop3A_263 : i32
        %parallel_loop3A_265 = arith.constant 0 : i32
        %parallel_loop3A_266 = arith.addi %parallel_loop3A_264, %parallel_loop3A_265 : i32
        %parallel_loop3A_267 = arith.constant 0 : i32
        %parallel_loop3A_268 = arith.constant 0 : i32
        %parallel_loop3A_269 = arith.index_cast %parallel_loop3A_267 : i32 to index
        %parallel_loop3A_270 = arith.index_cast %parallel_loop3A_268 : i32 to index
        %parallel_loop3A_271 = arith.index_cast %parallel_loop3A_266 : i32 to index
        %parallel_loop3A_272 = tpu.vector_load %arg6[%parallel_loop3A_269, %parallel_loop3A_270, %parallel_loop3A_271] {strides = array<i32>} : memref<4x1x4096xf32, #tpu.memory_space<vmem>>, vector<1x1x16xf32>,
        %parallel_loop3A_273 = vector.shape_cast %parallel_loop3A_272 : vector<1x1x16xf32> to vector<16xf32>
        %parallel_loop3A_274 = vector.shape_cast %parallel_loop3A_172 : vector<16xf32> to vector<1x1x16xf32>
        tpu.vector_store %arg6[%parallel_loop3A_269, %parallel_loop3A_270, %parallel_loop3A_271], %parallel_loop3A_274 {strides = array<i32>} : memref<4x1x4096xf32, #tpu.memory_space<vmem>>, vector<1x1x16xf32>,
        %parallel_loop3A_275 = arith.constant 64 : i32
        %parallel_loop3A_276 = arith.muli %parallel_loop3A_166, %parallel_loop3A_275 : i32
        %parallel_loop3A_277 = arith.constant 16 : i32
        %parallel_loop3A_278 = arith.addi %parallel_loop3A_276, %parallel_loop3A_277 : i32
        %parallel_loop3A_279 = arith.constant 0 : i32
        %parallel_loop3A_280 = arith.constant 0 : i32
        %parallel_loop3A_281 = arith.index_cast %parallel_loop3A_279 : i32 to index
        %parallel_loop3A_282 = arith.index_cast %parallel_loop3A_280 : i32 to index
        %parallel_loop3A_283 = arith.index_cast %parallel_loop3A_278 : i32 to index
        %parallel_loop3A_284 = tpu.vector_load %arg6[%parallel_loop3A_281, %parallel_loop3A_282, %parallel_loop3A_283] {strides = array<i32>} : memref<4x1x4096xf32, #tpu.memory_space<vmem>>, vector<1x1x16xf32>,
        %parallel_loop3A_285 = vector.shape_cast %parallel_loop3A_284 : vector<1x1x16xf32> to vector<16xf32>
        %parallel_loop3A_286 = vector.shape_cast %parallel_loop3A_178 : vector<16xf32> to vector<1x1x16xf32>
        tpu.vector_store %arg6[%parallel_loop3A_281, %parallel_loop3A_282, %parallel_loop3A_283], %parallel_loop3A_286 {strides = array<i32>} : memref<4x1x4096xf32, #tpu.memory_space<vmem>>, vector<1x1x16xf32>,
        %parallel_loop3A_287 = arith.constant 64 : i32
        %parallel_loop3A_288 = arith.muli %parallel_loop3A_166, %parallel_loop3A_287 : i32
        %parallel_loop3A_289 = arith.constant 32 : i32
        %parallel_loop3A_290 = arith.addi %parallel_loop3A_288, %parallel_loop3A_289 : i32
        %parallel_loop3A_291 = arith.constant 0 : i32
        %parallel_loop3A_292 = arith.constant 0 : i32
        %parallel_loop3A_293 = arith.index_cast %parallel_loop3A_291 : i32 to index
        %parallel_loop3A_294 = arith.index_cast %parallel_loop3A_292 : i32 to index
        %parallel_loop3A_295 = arith.index_cast %parallel_loop3A_290 : i32 to index
        %parallel_loop3A_296 = tpu.vector_load %arg6[%parallel_loop3A_293, %parallel_loop3A_294, %parallel_loop3A_295] {strides = array<i32>} : memref<4x1x4096xf32, #tpu.memory_space<vmem>>, vector<1x1x16xf32>,
        %parallel_loop3A_297 = vector.shape_cast %parallel_loop3A_296 : vector<1x1x16xf32> to vector<16xf32>
        %parallel_loop3A_298 = vector.shape_cast %parallel_loop3A_184 : vector<16xf32> to vector<1x1x16xf32>
        tpu.vector_store %arg6[%parallel_loop3A_293, %parallel_loop3A_294, %parallel_loop3A_295], %parallel_loop3A_298 {strides = array<i32>} : memref<4x1x4096xf32, #tpu.memory_space<vmem>>, vector<1x1x16xf32>,
        %parallel_loop3A_299 = arith.constant 64 : i32
        %parallel_loop3A_300 = arith.muli %parallel_loop3A_166, %parallel_loop3A_299 : i32
        %parallel_loop3A_301 = arith.constant 48 : i32
        %parallel_loop3A_302 = arith.addi %parallel_loop3A_300, %parallel_loop3A_301 : i32
        %parallel_loop3A_303 = arith.constant 0 : i32
        %parallel_loop3A_304 = arith.constant 0 : i32
        %parallel_loop3A_305 = arith.index_cast %parallel_loop3A_303 : i32 to index
        %parallel_loop3A_306 = arith.index_cast %parallel_loop3A_304 : i32 to index
        %parallel_loop3A_307 = arith.index_cast %parallel_loop3A_302 : i32 to index
        %parallel_loop3A_308 = tpu.vector_load %arg6[%parallel_loop3A_305, %parallel_loop3A_306, %parallel_loop3A_307] {strides = array<i32>} : memref<4x1x4096xf32, #tpu.memory_space<vmem>>, vector<1x1x16xf32>,
        %parallel_loop3A_309 = vector.shape_cast %parallel_loop3A_308 : vector<1x1x16xf32> to vector<16xf32>
        %parallel_loop3A_310 = vector.shape_cast %parallel_loop3A_190 : vector<16xf32> to vector<1x1x16xf32>
        tpu.vector_store %arg6[%parallel_loop3A_305, %parallel_loop3A_306, %parallel_loop3A_307], %parallel_loop3A_310 {strides = array<i32>} : memref<4x1x4096xf32, #tpu.memory_space<vmem>>, vector<1x1x16xf32>,
        %parallel_loop3A_311 = arith.constant 64 : i32
        %parallel_loop3A_312 = arith.muli %parallel_loop3A_166, %parallel_loop3A_311 : i32
        %parallel_loop3A_313 = arith.constant 0 : i32
        %parallel_loop3A_314 = arith.addi %parallel_loop3A_312, %parallel_loop3A_313 : i32
        %parallel_loop3A_315 = arith.constant 1 : i32
        %parallel_loop3A_316 = arith.constant 0 : i32
        %parallel_loop3A_317 = arith.index_cast %parallel_loop3A_315 : i32 to index
        %parallel_loop3A_318 = arith.index_cast %parallel_loop3A_316 : i32 to index
        %parallel_loop3A_319 = arith.index_cast %parallel_loop3A_314 : i32 to index
        %parallel_loop3A_320 = tpu.vector_load %arg6[%parallel_loop3A_317, %parallel_loop3A_318, %parallel_loop3A_319] {strides = array<i32>} : memref<4x1x4096xf32, #tpu.memory_space<vmem>>, vector<1x1x16xf32>,
        %parallel_loop3A_321 = vector.shape_cast %parallel_loop3A_320 : vector<1x1x16xf32> to vector<16xf32>
        %parallel_loop3A_322 = vector.shape_cast %parallel_loop3A_196 : vector<16xf32> to vector<1x1x16xf32>
        tpu.vector_store %arg6[%parallel_loop3A_317, %parallel_loop3A_318, %parallel_loop3A_319], %parallel_loop3A_322 {strides = array<i32>} : memref<4x1x4096xf32, #tpu.memory_space<vmem>>, vector<1x1x16xf32>,
        %parallel_loop3A_323 = arith.constant 64 : i32
        %parallel_loop3A_324 = arith.muli %parallel_loop3A_166, %parallel_loop3A_323 : i32
        %parallel_loop3A_325 = arith.constant 16 : i32
        %parallel_loop3A_326 = arith.addi %parallel_loop3A_324, %parallel_loop3A_325 : i32
        %parallel_loop3A_327 = arith.constant 1 : i32
        %parallel_loop3A_328 = arith.constant 0 : i32
        %parallel_loop3A_329 = arith.index_cast %parallel_loop3A_327 : i32 to index
        %parallel_loop3A_330 = arith.index_cast %parallel_loop3A_328 : i32 to index
        %parallel_loop3A_331 = arith.index_cast %parallel_loop3A_326 : i32 to index
        %parallel_loop3A_332 = tpu.vector_load %arg6[%parallel_loop3A_329, %parallel_loop3A_330, %parallel_loop3A_331] {strides = array<i32>} : memref<4x1x4096xf32, #tpu.memory_space<vmem>>, vector<1x1x16xf32>,
        %parallel_loop3A_333 = vector.shape_cast %parallel_loop3A_332 : vector<1x1x16xf32> to vector<16xf32>
        %parallel_loop3A_334 = vector.shape_cast %parallel_loop3A_202 : vector<16xf32> to vector<1x1x16xf32>
        tpu.vector_store %arg6[%parallel_loop3A_329, %parallel_loop3A_330, %parallel_loop3A_331], %parallel_loop3A_334 {strides = array<i32>} : memref<4x1x4096xf32, #tpu.memory_space<vmem>>, vector<1x1x16xf32>,
        %parallel_loop3A_335 = arith.constant 64 : i32
        %parallel_loop3A_336 = arith.muli %parallel_loop3A_166, %parallel_loop3A_335 : i32
        %parallel_loop3A_337 = arith.constant 32 : i32
        %parallel_loop3A_338 = arith.addi %parallel_loop3A_336, %parallel_loop3A_337 : i32
        %parallel_loop3A_339 = arith.constant 1 : i32
        %parallel_loop3A_340 = arith.constant 0 : i32
        %parallel_loop3A_341 = arith.index_cast %parallel_loop3A_339 : i32 to index
        %parallel_loop3A_342 = arith.index_cast %parallel_loop3A_340 : i32 to index
        %parallel_loop3A_343 = arith.index_cast %parallel_loop3A_338 : i32 to index
        %parallel_loop3A_344 = tpu.vector_load %arg6[%parallel_loop3A_341, %parallel_loop3A_342, %parallel_loop3A_343] {strides = array<i32>} : memref<4x1x4096xf32, #tpu.memory_space<vmem>>, vector<1x1x16xf32>,
        %parallel_loop3A_345 = vector.shape_cast %parallel_loop3A_344 : vector<1x1x16xf32> to vector<16xf32>
        %parallel_loop3A_346 = vector.shape_cast %parallel_loop3A_208 : vector<16xf32> to vector<1x1x16xf32>
        tpu.vector_store %arg6[%parallel_loop3A_341, %parallel_loop3A_342, %parallel_loop3A_343], %parallel_loop3A_346 {strides = array<i32>} : memref<4x1x4096xf32, #tpu.memory_space<vmem>>, vector<1x1x16xf32>,
        %parallel_loop3A_347 = arith.constant 64 : i32
        %parallel_loop3A_348 = arith.muli %parallel_loop3A_166, %parallel_loop3A_347 : i32
        %parallel_loop3A_349 = arith.constant 48 : i32
        %parallel_loop3A_350 = arith.addi %parallel_loop3A_348, %parallel_loop3A_349 : i32
        %parallel_loop3A_351 = arith.constant 1 : i32
        %parallel_loop3A_352 = arith.constant 0 : i32
        %parallel_loop3A_353 = arith.index_cast %parallel_loop3A_351 : i32 to index
        %parallel_loop3A_354 = arith.index_cast %parallel_loop3A_352 : i32 to index
        %parallel_loop3A_355 = arith.index_cast %parallel_loop3A_350 : i32 to index
        %parallel_loop3A_356 = tpu.vector_load %arg6[%parallel_loop3A_353, %parallel_loop3A_354, %parallel_loop3A_355] {strides = array<i32>} : memref<4x1x4096xf32, #tpu.memory_space<vmem>>, vector<1x1x16xf32>,
        %parallel_loop3A_357 = vector.shape_cast %parallel_loop3A_356 : vector<1x1x16xf32> to vector<16xf32>
        %parallel_loop3A_358 = vector.shape_cast %parallel_loop3A_214 : vector<16xf32> to vector<1x1x16xf32>
        tpu.vector_store %arg6[%parallel_loop3A_353, %parallel_loop3A_354, %parallel_loop3A_355], %parallel_loop3A_358 {strides = array<i32>} : memref<4x1x4096xf32, #tpu.memory_space<vmem>>, vector<1x1x16xf32>,
        %parallel_loop3A_359 = arith.constant 64 : i32
        %parallel_loop3A_360 = arith.muli %parallel_loop3A_166, %parallel_loop3A_359 : i32
        %parallel_loop3A_361 = arith.constant 0 : i32
        %parallel_loop3A_362 = arith.addi %parallel_loop3A_360, %parallel_loop3A_361 : i32
        %parallel_loop3A_363 = arith.constant 2 : i32
        %parallel_loop3A_364 = arith.constant 0 : i32
        %parallel_loop3A_365 = arith.index_cast %parallel_loop3A_363 : i32 to index
        %parallel_loop3A_366 = arith.index_cast %parallel_loop3A_364 : i32 to index
        %parallel_loop3A_367 = arith.index_cast %parallel_loop3A_362 : i32 to index
        %parallel_loop3A_368 = tpu.vector_load %arg6[%parallel_loop3A_365, %parallel_loop3A_366, %parallel_loop3A_367] {strides = array<i32>} : memref<4x1x4096xf32, #tpu.memory_space<vmem>>, vector<1x1x16xf32>,
        %parallel_loop3A_369 = vector.shape_cast %parallel_loop3A_368 : vector<1x1x16xf32> to vector<16xf32>
        %parallel_loop3A_370 = vector.shape_cast %parallel_loop3A_220 : vector<16xf32> to vector<1x1x16xf32>
        tpu.vector_store %arg6[%parallel_loop3A_365, %parallel_loop3A_366, %parallel_loop3A_367], %parallel_loop3A_370 {strides = array<i32>} : memref<4x1x4096xf32, #tpu.memory_space<vmem>>, vector<1x1x16xf32>,
        %parallel_loop3A_371 = arith.constant 64 : i32
        %parallel_loop3A_372 = arith.muli %parallel_loop3A_166, %parallel_loop3A_371 : i32
        %parallel_loop3A_373 = arith.constant 16 : i32
        %parallel_loop3A_374 = arith.addi %parallel_loop3A_372, %parallel_loop3A_373 : i32
        %parallel_loop3A_375 = arith.constant 2 : i32
        %parallel_loop3A_376 = arith.constant 0 : i32
        %parallel_loop3A_377 = arith.index_cast %parallel_loop3A_375 : i32 to index
        %parallel_loop3A_378 = arith.index_cast %parallel_loop3A_376 : i32 to index
        %parallel_loop3A_379 = arith.index_cast %parallel_loop3A_374 : i32 to index
        %parallel_loop3A_380 = tpu.vector_load %arg6[%parallel_loop3A_377, %parallel_loop3A_378, %parallel_loop3A_379] {strides = array<i32>} : memref<4x1x4096xf32, #tpu.memory_space<vmem>>, vector<1x1x16xf32>,
        %parallel_loop3A_381 = vector.shape_cast %parallel_loop3A_380 : vector<1x1x16xf32> to vector<16xf32>
        %parallel_loop3A_382 = vector.shape_cast %parallel_loop3A_226 : vector<16xf32> to vector<1x1x16xf32>
        tpu.vector_store %arg6[%parallel_loop3A_377, %parallel_loop3A_378, %parallel_loop3A_379], %parallel_loop3A_382 {strides = array<i32>} : memref<4x1x4096xf32, #tpu.memory_space<vmem>>, vector<1x1x16xf32>,
        %parallel_loop3A_383 = arith.constant 64 : i32
        %parallel_loop3A_384 = arith.muli %parallel_loop3A_166, %parallel_loop3A_383 : i32
        %parallel_loop3A_385 = arith.constant 32 : i32
        %parallel_loop3A_386 = arith.addi %parallel_loop3A_384, %parallel_loop3A_385 : i32
        %parallel_loop3A_387 = arith.constant 2 : i32
        %parallel_loop3A_388 = arith.constant 0 : i32
        %parallel_loop3A_389 = arith.index_cast %parallel_loop3A_387 : i32 to index
        %parallel_loop3A_390 = arith.index_cast %parallel_loop3A_388 : i32 to index
        %parallel_loop3A_391 = arith.index_cast %parallel_loop3A_386 : i32 to index
        %parallel_loop3A_392 = tpu.vector_load %arg6[%parallel_loop3A_389, %parallel_loop3A_390, %parallel_loop3A_391] {strides = array<i32>} : memref<4x1x4096xf32, #tpu.memory_space<vmem>>, vector<1x1x16xf32>,
        %parallel_loop3A_393 = vector.shape_cast %parallel_loop3A_392 : vector<1x1x16xf32> to vector<16xf32>
        %parallel_loop3A_394 = vector.shape_cast %parallel_loop3A_232 : vector<16xf32> to vector<1x1x16xf32>
        tpu.vector_store %arg6[%parallel_loop3A_389, %parallel_loop3A_390, %parallel_loop3A_391], %parallel_loop3A_394 {strides = array<i32>} : memref<4x1x4096xf32, #tpu.memory_space<vmem>>, vector<1x1x16xf32>,
        %parallel_loop3A_395 = arith.constant 64 : i32
        %parallel_loop3A_396 = arith.muli %parallel_loop3A_166, %parallel_loop3A_395 : i32
        %parallel_loop3A_397 = arith.constant 48 : i32
        %parallel_loop3A_398 = arith.addi %parallel_loop3A_396, %parallel_loop3A_397 : i32
        %parallel_loop3A_399 = arith.constant 2 : i32
        %parallel_loop3A_400 = arith.constant 0 : i32
        %parallel_loop3A_401 = arith.index_cast %parallel_loop3A_399 : i32 to index
        %parallel_loop3A_402 = arith.index_cast %parallel_loop3A_400 : i32 to index
        %parallel_loop3A_403 = arith.index_cast %parallel_loop3A_398 : i32 to index
        %parallel_loop3A_404 = tpu.vector_load %arg6[%parallel_loop3A_401, %parallel_loop3A_402, %parallel_loop3A_403] {strides = array<i32>} : memref<4x1x4096xf32, #tpu.memory_space<vmem>>, vector<1x1x16xf32>,
        %parallel_loop3A_405 = vector.shape_cast %parallel_loop3A_404 : vector<1x1x16xf32> to vector<16xf32>
        %parallel_loop3A_406 = vector.shape_cast %parallel_loop3A_238 : vector<16xf32> to vector<1x1x16xf32>
        tpu.vector_store %arg6[%parallel_loop3A_401, %parallel_loop3A_402, %parallel_loop3A_403], %parallel_loop3A_406 {strides = array<i32>} : memref<4x1x4096xf32, #tpu.memory_space<vmem>>, vector<1x1x16xf32>,
        %parallel_loop3A_407 = arith.constant 64 : i32
        %parallel_loop3A_408 = arith.muli %parallel_loop3A_166, %parallel_loop3A_407 : i32
        %parallel_loop3A_409 = arith.constant 0 : i32
        %parallel_loop3A_410 = arith.addi %parallel_loop3A_408, %parallel_loop3A_409 : i32
        %parallel_loop3A_411 = arith.constant 3 : i32
        %parallel_loop3A_412 = arith.constant 0 : i32
        %parallel_loop3A_413 = arith.index_cast %parallel_loop3A_411 : i32 to index
        %parallel_loop3A_414 = arith.index_cast %parallel_loop3A_412 : i32 to index
        %parallel_loop3A_415 = arith.index_cast %parallel_loop3A_410 : i32 to index
        %parallel_loop3A_416 = tpu.vector_load %arg6[%parallel_loop3A_413, %parallel_loop3A_414, %parallel_loop3A_415] {strides = array<i32>} : memref<4x1x4096xf32, #tpu.memory_space<vmem>>, vector<1x1x16xf32>,
        %parallel_loop3A_417 = vector.shape_cast %parallel_loop3A_416 : vector<1x1x16xf32> to vector<16xf32>
        %parallel_loop3A_418 = vector.shape_cast %parallel_loop3A_244 : vector<16xf32> to vector<1x1x16xf32>
        tpu.vector_store %arg6[%parallel_loop3A_413, %parallel_loop3A_414, %parallel_loop3A_415], %parallel_loop3A_418 {strides = array<i32>} : memref<4x1x4096xf32, #tpu.memory_space<vmem>>, vector<1x1x16xf32>,
        %parallel_loop3A_419 = arith.constant 64 : i32
        %parallel_loop3A_420 = arith.muli %parallel_loop3A_166, %parallel_loop3A_419 : i32
        %parallel_loop3A_421 = arith.constant 16 : i32
        %parallel_loop3A_422 = arith.addi %parallel_loop3A_420, %parallel_loop3A_421 : i32
        %parallel_loop3A_423 = arith.constant 3 : i32
        %parallel_loop3A_424 = arith.constant 0 : i32
        %parallel_loop3A_425 = arith.index_cast %parallel_loop3A_423 : i32 to index
        %parallel_loop3A_426 = arith.index_cast %parallel_loop3A_424 : i32 to index
        %parallel_loop3A_427 = arith.index_cast %parallel_loop3A_422 : i32 to index
        %parallel_loop3A_428 = tpu.vector_load %arg6[%parallel_loop3A_425, %parallel_loop3A_426, %parallel_loop3A_427] {strides = array<i32>} : memref<4x1x4096xf32, #tpu.memory_space<vmem>>, vector<1x1x16xf32>,
        %parallel_loop3A_429 = vector.shape_cast %parallel_loop3A_428 : vector<1x1x16xf32> to vector<16xf32>
        %parallel_loop3A_430 = vector.shape_cast %parallel_loop3A_250 : vector<16xf32> to vector<1x1x16xf32>
        tpu.vector_store %arg6[%parallel_loop3A_425, %parallel_loop3A_426, %parallel_loop3A_427], %parallel_loop3A_430 {strides = array<i32>} : memref<4x1x4096xf32, #tpu.memory_space<vmem>>, vector<1x1x16xf32>,
        %parallel_loop3A_431 = arith.constant 64 : i32
        %parallel_loop3A_432 = arith.muli %parallel_loop3A_166, %parallel_loop3A_431 : i32
        %parallel_loop3A_433 = arith.constant 32 : i32
        %parallel_loop3A_434 = arith.addi %parallel_loop3A_432, %parallel_loop3A_433 : i32
        %parallel_loop3A_435 = arith.constant 3 : i32
        %parallel_loop3A_436 = arith.constant 0 : i32
        %parallel_loop3A_437 = arith.index_cast %parallel_loop3A_435 : i32 to index
        %parallel_loop3A_438 = arith.index_cast %parallel_loop3A_436 : i32 to index
        %parallel_loop3A_439 = arith.index_cast %parallel_loop3A_434 : i32 to index
        %parallel_loop3A_440 = tpu.vector_load %arg6[%parallel_loop3A_437, %parallel_loop3A_438, %parallel_loop3A_439] {strides = array<i32>} : memref<4x1x4096xf32, #tpu.memory_space<vmem>>, vector<1x1x16xf32>,
        %parallel_loop3A_441 = vector.shape_cast %parallel_loop3A_440 : vector<1x1x16xf32> to vector<16xf32>
        %parallel_loop3A_442 = vector.shape_cast %parallel_loop3A_256 : vector<16xf32> to vector<1x1x16xf32>
        tpu.vector_store %arg6[%parallel_loop3A_437, %parallel_loop3A_438, %parallel_loop3A_439], %parallel_loop3A_442 {strides = array<i32>} : memref<4x1x4096xf32, #tpu.memory_space<vmem>>, vector<1x1x16xf32>,
        %parallel_loop3A_443 = arith.constant 64 : i32
        %parallel_loop3A_444 = arith.muli %parallel_loop3A_166, %parallel_loop3A_443 : i32
        %parallel_loop3A_445 = arith.constant 48 : i32
        %parallel_loop3A_446 = arith.addi %parallel_loop3A_444, %parallel_loop3A_445 : i32
        %parallel_loop3A_447 = arith.constant 3 : i32
        %parallel_loop3A_448 = arith.constant 0 : i32
        %parallel_loop3A_449 = arith.index_cast %parallel_loop3A_447 : i32 to index
        %parallel_loop3A_450 = arith.index_cast %parallel_loop3A_448 : i32 to index
        %parallel_loop3A_451 = arith.index_cast %parallel_loop3A_446 : i32 to index
        %parallel_loop3A_452 = tpu.vector_load %arg6[%parallel_loop3A_449, %parallel_loop3A_450, %parallel_loop3A_451] {strides = array<i32>} : memref<4x1x4096xf32, #tpu.memory_space<vmem>>, vector<1x1x16xf32>,
        %parallel_loop3A_453 = vector.shape_cast %parallel_loop3A_452 : vector<1x1x16xf32> to vector<16xf32>
        %parallel_loop3A_454 = vector.shape_cast %parallel_loop3A_262 : vector<16xf32> to vector<1x1x16xf32>
        tpu.vector_store %arg6[%parallel_loop3A_449, %parallel_loop3A_450, %parallel_loop3A_451], %parallel_loop3A_454 {strides = array<i32>} : memref<4x1x4096xf32, #tpu.memory_space<vmem>>, vector<1x1x16xf32>,
      } {sc.loop_unroll_factor = 4 : i64, sc.parallel_access}
      %add3A_127 = arith.addi %mul3A_72, %add3A_115 : i32
      %dma_start3A_128 = arith.constant 0 : i32
      %dma_start3A_129 = tpu.memref_slice %arg3[%add3A_79, %add3A_127, %dma_start3A_128] : memref<32x256x4096xf32, #tpu.memory_space<hbm>> -> memref<4x1x4096xf32, #tpu.memory_space<hbm>>
      %dma_start3A_130 = arith.constant 0 : i32
      %dma_start3A_131 = tpu.memref_slice %arg3[%add3A_79, %add3A_127, %dma_start3A_130] : memref<32x256x4096xf32, #tpu.memory_space<hbm>> -> memref<4x1x4096xf32, #tpu.memory_space<hbm>>
      tpu.enqueue_dma source(%arg6 : memref<4x1x4096xf32, #tpu.memory_space<vmem>>) target(%dma_start3A_131 : memref<4x1x4096xf32, #tpu.memory_space<hbm>>) target_semaphore(%arg10 : memref<!tpu.dma_semaphore, #tpu.memory_space<semaphore_mem>>)
      %lt3A_132 = arith.constant 31 : i32
      %lt3A_133 = arith.cmpi slt, %scan3A_111, %lt3A_132 : i32
      %convert_element_type3A_134 = arith.extui %lt3A_133 : i1 to i32
      %cond3A_135 = arith.constant 0 : i32
      %cond3A_136 = arith.cmpi ne, %convert_element_type3A_134, %cond3A_135 : i32
      scf.if %cond3A_136 {
        %add3A_166 = arith.constant 2 : i32
        %add3A_167 = arith.addi %add3A_115, %add3A_166 : i32
        %add3A_168 = arith.addi %mul3A_72, %add3A_167 : i32
        %dma_start3A_169 = arith.constant 0 : i32
        %dma_start3A_170 = tpu.memref_slice %arg2[%select_n3A_40, %add3A_168, %mul3A_74, %dma_start3A_169] : memref<2x256x256x256xf32, #tpu.memory_space<hbm>> -> memref<1x1x64x256xf32, #tpu.memory_space<hbm>>
        %dma_start3A_171 = tpu.memref_squeeze %dma_start3A_170 : memref<1x1x64x256xf32, #tpu.memory_space<hbm>> -> memref<1x64x256xf32, #tpu.memory_space<hbm>>
        %dma_start3A_172 = arith.constant 0 : i32
        %dma_start3A_173 = tpu.memref_slice %arg2[%select_n3A_40, %add3A_168, %mul3A_74, %dma_start3A_172] : memref<2x256x256x256xf32, #tpu.memory_space<hbm>> -> memref<1x1x64x256xf32, #tpu.memory_space<hbm>>
        %dma_start3A_174 = tpu.memref_squeeze %dma_start3A_173 : memref<1x1x64x256xf32, #tpu.memory_space<hbm>> -> memref<1x64x256xf32, #tpu.memory_space<hbm>>
        tpu.enqueue_dma source(%dma_start3A_174 : memref<1x64x256xf32, #tpu.memory_space<hbm>>) target(%arg4 : memref<1x64x256xf32, #tpu.memory_space<vmem>>) target_semaphore(%arg8 : memref<!tpu.dma_semaphore, #tpu.memory_space<semaphore_mem>>)
      } else {
      }
      %mul3A_137 = arith.constant 2 : i32
      %mul3A_138 = arith.muli %mul3A_137, %scan3A_111 : i32
      %add3A_139 = arith.constant 1 : i32
      %add3A_140 = arith.addi %mul3A_138, %add3A_139 : i32
      %add3A_141 = arith.addi %mul3A_72, %add3A_140 : i32
      %dma_wait3A_142 = arith.constant 0 : i32
      %dma_wait3A_143 = tpu.memref_slice %arg2[%select_n3A_40, %add3A_141, %mul3A_74, %dma_wait3A_142] : memref<2x256x256x256xf32, #tpu.memory_space<hbm>> -> memref<1x1x64x256xf32, #tpu.memory_space<hbm>>
      %dma_wait3A_144 = tpu.memref_squeeze %dma_wait3A_143 : memref<1x1x64x256xf32, #tpu.memory_space<hbm>> -> memref<1x64x256xf32, #tpu.memory_space<hbm>>
      %dma_wait3A_145 = arith.constant 0 : i32
      %dma_wait3A_146 = tpu.memref_slice %arg2[%select_n3A_40, %add3A_141, %mul3A_74, %dma_wait3A_145] : memref<2x256x256x256xf32, #tpu.memory_space<hbm>> -> memref<1x1x64x256xf32, #tpu.memory_space<hbm>>
      %dma_wait3A_147 = tpu.memref_squeeze %dma_wait3A_146 : memref<1x1x64x256xf32, #tpu.memory_space<hbm>> -> memref<1x64x256xf32, #tpu.memory_space<hbm>>
      tpu.wait_dma2 semaphore(%arg9 : memref<!tpu.dma_semaphore, #tpu.memory_space<semaphore_mem>>) src(%dma_wait3A_147 : memref<1x64x256xf32, #tpu.memory_space<hbm>>) dst(%arg5 : memref<1x64x256xf32, #tpu.memory_space<vmem>>)
      %ge3A_148 = arith.constant 1 : i32
      %ge3A_149 = arith.cmpi sge, %scan3A_111, %ge3A_148 : i32
      %convert_element_type3A_150 = arith.extui %ge3A_149 : i1 to i32
      %cond3A_151 = arith.constant 0 : i32
      %cond3A_152 = arith.cmpi ne, %convert_element_type3A_150, %cond3A_151 : i32
      scf.if %cond3A_152 {
        %sub3A_166 = arith.constant 2 : i32
        %sub3A_167 = arith.subi %add3A_140, %sub3A_166 : i32
        %add3A_168 = arith.addi %mul3A_72, %sub3A_167 : i32
        %dma_wait3A_169 = arith.constant 0 : i32
        %dma_wait3A_170 = tpu.memref_slice %arg3[%add3A_79, %add3A_168, %dma_wait3A_169] : memref<32x256x4096xf32, #tpu.memory_space<hbm>> -> memref<4x1x4096xf32, #tpu.memory_space<hbm>>
        %dma_wait3A_171 = arith.constant 0 : i32
        %dma_wait3A_172 = tpu.memref_slice %arg3[%add3A_79, %add3A_168, %dma_wait3A_171] : memref<32x256x4096xf32, #tpu.memory_space<hbm>> -> memref<4x1x4096xf32, #tpu.memory_space<hbm>>
        tpu.wait_dma2 semaphore(%arg11 : memref<!tpu.dma_semaphore, #tpu.memory_space<semaphore_mem>>) src(%arg7 : memref<4x1x4096xf32, #tpu.memory_space<vmem>>) dst(%dma_wait3A_172 : memref<4x1x4096xf32, #tpu.memory_space<hbm>>)
      } else {
      }
      %parallel_loop3A_153 = arith.constant 0 : i32
      %parallel_loop3A_154 = arith.constant 64 : i32
      %parallel_loop3A_155 = arith.constant 1 : i32
      scf.for %parallel_loop3A_166 = %parallel_loop3A_153 to %parallel_loop3A_154 step %parallel_loop3A_155  : i32 {
        %parallel_loop3A_167 = arith.constant 0 : i32
        %parallel_loop3A_168 = arith.index_cast %parallel_loop3A_167 : i32 to index
        %parallel_loop3A_169 = arith.index_cast %parallel_loop3A_166 : i32 to index
        %parallel_loop3A_170 = arith.constant 0 : index
        %parallel_loop3A_171 = tpu.vector_load %arg5[%parallel_loop3A_168, %parallel_loop3A_169, %parallel_loop3A_170] {strides = array<i32>} : memref<1x64x256xf32, #tpu.memory_space<vmem>>, vector<1x1x16xf32>,
        %parallel_loop3A_172 = vector.shape_cast %parallel_loop3A_171 : vector<1x1x16xf32> to vector<16xf32>
        %parallel_loop3A_173 = arith.constant 0 : i32
        %parallel_loop3A_174 = arith.index_cast %parallel_loop3A_173 : i32 to index
        %parallel_loop3A_175 = arith.index_cast %parallel_loop3A_166 : i32 to index
        %parallel_loop3A_176 = arith.constant 16 : index
        %parallel_loop3A_177 = tpu.vector_load %arg5[%parallel_loop3A_174, %parallel_loop3A_175, %parallel_loop3A_176] {strides = array<i32>} : memref<1x64x256xf32, #tpu.memory_space<vmem>>, vector<1x1x16xf32>,
        %parallel_loop3A_178 = vector.shape_cast %parallel_loop3A_177 : vector<1x1x16xf32> to vector<16xf32>
        %parallel_loop3A_179 = arith.constant 0 : i32
        %parallel_loop3A_180 = arith.index_cast %parallel_loop3A_179 : i32 to index
        %parallel_loop3A_181 = arith.index_cast %parallel_loop3A_166 : i32 to index
        %parallel_loop3A_182 = arith.constant 32 : index
        %parallel_loop3A_183 = tpu.vector_load %arg5[%parallel_loop3A_180, %parallel_loop3A_181, %parallel_loop3A_182] {strides = array<i32>} : memref<1x64x256xf32, #tpu.memory_space<vmem>>, vector<1x1x16xf32>,
        %parallel_loop3A_184 = vector.shape_cast %parallel_loop3A_183 : vector<1x1x16xf32> to vector<16xf32>
        %parallel_loop3A_185 = arith.constant 0 : i32
        %parallel_loop3A_186 = arith.index_cast %parallel_loop3A_185 : i32 to index
        %parallel_loop3A_187 = arith.index_cast %parallel_loop3A_166 : i32 to index
        %parallel_loop3A_188 = arith.constant 48 : index
        %parallel_loop3A_189 = tpu.vector_load %arg5[%parallel_loop3A_186, %parallel_loop3A_187, %parallel_loop3A_188] {strides = array<i32>} : memref<1x64x256xf32, #tpu.memory_space<vmem>>, vector<1x1x16xf32>,
        %parallel_loop3A_190 = vector.shape_cast %parallel_loop3A_189 : vector<1x1x16xf32> to vector<16xf32>
        %parallel_loop3A_191 = arith.constant 0 : i32
        %parallel_loop3A_192 = arith.index_cast %parallel_loop3A_191 : i32 to index
        %parallel_loop3A_193 = arith.index_cast %parallel_loop3A_166 : i32 to index
        %parallel_loop3A_194 = arith.constant 64 : index
        %parallel_loop3A_195 = tpu.vector_load %arg5[%parallel_loop3A_192, %parallel_loop3A_193, %parallel_loop3A_194] {strides = array<i32>} : memref<1x64x256xf32, #tpu.memory_space<vmem>>, vector<1x1x16xf32>,
        %parallel_loop3A_196 = vector.shape_cast %parallel_loop3A_195 : vector<1x1x16xf32> to vector<16xf32>
        %parallel_loop3A_197 = arith.constant 0 : i32
        %parallel_loop3A_198 = arith.index_cast %parallel_loop3A_197 : i32 to index
        %parallel_loop3A_199 = arith.index_cast %parallel_loop3A_166 : i32 to index
        %parallel_loop3A_200 = arith.constant 80 : index
        %parallel_loop3A_201 = tpu.vector_load %arg5[%parallel_loop3A_198, %parallel_loop3A_199, %parallel_loop3A_200] {strides = array<i32>} : memref<1x64x256xf32, #tpu.memory_space<vmem>>, vector<1x1x16xf32>,
        %parallel_loop3A_202 = vector.shape_cast %parallel_loop3A_201 : vector<1x1x16xf32> to vector<16xf32>
        %parallel_loop3A_203 = arith.constant 0 : i32
        %parallel_loop3A_204 = arith.index_cast %parallel_loop3A_203 : i32 to index
        %parallel_loop3A_205 = arith.index_cast %parallel_loop3A_166 : i32 to index
        %parallel_loop3A_206 = arith.constant 96 : index
        %parallel_loop3A_207 = tpu.vector_load %arg5[%parallel_loop3A_204, %parallel_loop3A_205, %parallel_loop3A_206] {strides = array<i32>} : memref<1x64x256xf32, #tpu.memory_space<vmem>>, vector<1x1x16xf32>,
        %parallel_loop3A_208 = vector.shape_cast %parallel_loop3A_207 : vector<1x1x16xf32> to vector<16xf32>
        %parallel_loop3A_209 = arith.constant 0 : i32
        %parallel_loop3A_210 = arith.index_cast %parallel_loop3A_209 : i32 to index
        %parallel_loop3A_211 = arith.index_cast %parallel_loop3A_166 : i32 to index
        %parallel_loop3A_212 = arith.constant 112 : index
        %parallel_loop3A_213 = tpu.vector_load %arg5[%parallel_loop3A_210, %parallel_loop3A_211, %parallel_loop3A_212] {strides = array<i32>} : memref<1x64x256xf32, #tpu.memory_space<vmem>>, vector<1x1x16xf32>,
        %parallel_loop3A_214 = vector.shape_cast %parallel_loop3A_213 : vector<1x1x16xf32> to vector<16xf32>
        %parallel_loop3A_215 = arith.constant 0 : i32
        %parallel_loop3A_216 = arith.index_cast %parallel_loop3A_215 : i32 to index
        %parallel_loop3A_217 = arith.index_cast %parallel_loop3A_166 : i32 to index
        %parallel_loop3A_218 = arith.constant 128 : index
        %parallel_loop3A_219 = tpu.vector_load %arg5[%parallel_loop3A_216, %parallel_loop3A_217, %parallel_loop3A_218] {strides = array<i32>} : memref<1x64x256xf32, #tpu.memory_space<vmem>>, vector<1x1x16xf32>,
        %parallel_loop3A_220 = vector.shape_cast %parallel_loop3A_219 : vector<1x1x16xf32> to vector<16xf32>
        %parallel_loop3A_221 = arith.constant 0 : i32
        %parallel_loop3A_222 = arith.index_cast %parallel_loop3A_221 : i32 to index
        %parallel_loop3A_223 = arith.index_cast %parallel_loop3A_166 : i32 to index
        %parallel_loop3A_224 = arith.constant 144 : index
        %parallel_loop3A_225 = tpu.vector_load %arg5[%parallel_loop3A_222, %parallel_loop3A_223, %parallel_loop3A_224] {strides = array<i32>} : memref<1x64x256xf32, #tpu.memory_space<vmem>>, vector<1x1x16xf32>,
        %parallel_loop3A_226 = vector.shape_cast %parallel_loop3A_225 : vector<1x1x16xf32> to vector<16xf32>
        %parallel_loop3A_227 = arith.constant 0 : i32
        %parallel_loop3A_228 = arith.index_cast %parallel_loop3A_227 : i32 to index
        %parallel_loop3A_229 = arith.index_cast %parallel_loop3A_166 : i32 to index
        %parallel_loop3A_230 = arith.constant 160 : index
        %parallel_loop3A_231 = tpu.vector_load %arg5[%parallel_loop3A_228, %parallel_loop3A_229, %parallel_loop3A_230] {strides = array<i32>} : memref<1x64x256xf32, #tpu.memory_space<vmem>>, vector<1x1x16xf32>,
        %parallel_loop3A_232 = vector.shape_cast %parallel_loop3A_231 : vector<1x1x16xf32> to vector<16xf32>
        %parallel_loop3A_233 = arith.constant 0 : i32
        %parallel_loop3A_234 = arith.index_cast %parallel_loop3A_233 : i32 to index
        %parallel_loop3A_235 = arith.index_cast %parallel_loop3A_166 : i32 to index
        %parallel_loop3A_236 = arith.constant 176 : index
        %parallel_loop3A_237 = tpu.vector_load %arg5[%parallel_loop3A_234, %parallel_loop3A_235, %parallel_loop3A_236] {strides = array<i32>} : memref<1x64x256xf32, #tpu.memory_space<vmem>>, vector<1x1x16xf32>,
        %parallel_loop3A_238 = vector.shape_cast %parallel_loop3A_237 : vector<1x1x16xf32> to vector<16xf32>
        %parallel_loop3A_239 = arith.constant 0 : i32
        %parallel_loop3A_240 = arith.index_cast %parallel_loop3A_239 : i32 to index
        %parallel_loop3A_241 = arith.index_cast %parallel_loop3A_166 : i32 to index
        %parallel_loop3A_242 = arith.constant 192 : index
        %parallel_loop3A_243 = tpu.vector_load %arg5[%parallel_loop3A_240, %parallel_loop3A_241, %parallel_loop3A_242] {strides = array<i32>} : memref<1x64x256xf32, #tpu.memory_space<vmem>>, vector<1x1x16xf32>,
        %parallel_loop3A_244 = vector.shape_cast %parallel_loop3A_243 : vector<1x1x16xf32> to vector<16xf32>
        %parallel_loop3A_245 = arith.constant 0 : i32
        %parallel_loop3A_246 = arith.index_cast %parallel_loop3A_245 : i32 to index
        %parallel_loop3A_247 = arith.index_cast %parallel_loop3A_166 : i32 to index
        %parallel_loop3A_248 = arith.constant 208 : index
        %parallel_loop3A_249 = tpu.vector_load %arg5[%parallel_loop3A_246, %parallel_loop3A_247, %parallel_loop3A_248] {strides = array<i32>} : memref<1x64x256xf32, #tpu.memory_space<vmem>>, vector<1x1x16xf32>,
        %parallel_loop3A_250 = vector.shape_cast %parallel_loop3A_249 : vector<1x1x16xf32> to vector<16xf32>
        %parallel_loop3A_251 = arith.constant 0 : i32
        %parallel_loop3A_252 = arith.index_cast %parallel_loop3A_251 : i32 to index
        %parallel_loop3A_253 = arith.index_cast %parallel_loop3A_166 : i32 to index
        %parallel_loop3A_254 = arith.constant 224 : index
        %parallel_loop3A_255 = tpu.vector_load %arg5[%parallel_loop3A_252, %parallel_loop3A_253, %parallel_loop3A_254] {strides = array<i32>} : memref<1x64x256xf32, #tpu.memory_space<vmem>>, vector<1x1x16xf32>,
        %parallel_loop3A_256 = vector.shape_cast %parallel_loop3A_255 : vector<1x1x16xf32> to vector<16xf32>
        %parallel_loop3A_257 = arith.constant 0 : i32
        %parallel_loop3A_258 = arith.index_cast %parallel_loop3A_257 : i32 to index
        %parallel_loop3A_259 = arith.index_cast %parallel_loop3A_166 : i32 to index
        %parallel_loop3A_260 = arith.constant 240 : index
        %parallel_loop3A_261 = tpu.vector_load %arg5[%parallel_loop3A_258, %parallel_loop3A_259, %parallel_loop3A_260] {strides = array<i32>} : memref<1x64x256xf32, #tpu.memory_space<vmem>>, vector<1x1x16xf32>,
        %parallel_loop3A_262 = vector.shape_cast %parallel_loop3A_261 : vector<1x1x16xf32> to vector<16xf32>
        %parallel_loop3A_263 = arith.constant 64 : i32
        %parallel_loop3A_264 = arith.muli %parallel_loop3A_166, %parallel_loop3A_263 : i32
        %parallel_loop3A_265 = arith.constant 0 : i32
        %parallel_loop3A_266 = arith.addi %parallel_loop3A_264, %parallel_loop3A_265 : i32
        %parallel_loop3A_267 = arith.constant 0 : i32
        %parallel_loop3A_268 = arith.constant 0 : i32
        %parallel_loop3A_269 = arith.index_cast %parallel_loop3A_267 : i32 to index
        %parallel_loop3A_270 = arith.index_cast %parallel_loop3A_268 : i32 to index
        %parallel_loop3A_271 = arith.index_cast %parallel_loop3A_266 : i32 to index
        %parallel_loop3A_272 = tpu.vector_load %arg7[%parallel_loop3A_269, %parallel_loop3A_270, %parallel_loop3A_271] {strides = array<i32>} : memref<4x1x4096xf32, #tpu.memory_space<vmem>>, vector<1x1x16xf32>,
        %parallel_loop3A_273 = vector.shape_cast %parallel_loop3A_272 : vector<1x1x16xf32> to vector<16xf32>
        %parallel_loop3A_274 = vector.shape_cast %parallel_loop3A_172 : vector<16xf32> to vector<1x1x16xf32>
        tpu.vector_store %arg7[%parallel_loop3A_269, %parallel_loop3A_270, %parallel_loop3A_271], %parallel_loop3A_274 {strides = array<i32>} : memref<4x1x4096xf32, #tpu.memory_space<vmem>>, vector<1x1x16xf32>,
        %parallel_loop3A_275 = arith.constant 64 : i32
        %parallel_loop3A_276 = arith.muli %parallel_loop3A_166, %parallel_loop3A_275 : i32
        %parallel_loop3A_277 = arith.constant 16 : i32
        %parallel_loop3A_278 = arith.addi %parallel_loop3A_276, %parallel_loop3A_277 : i32
        %parallel_loop3A_279 = arith.constant 0 : i32
        %parallel_loop3A_280 = arith.constant 0 : i32
        %parallel_loop3A_281 = arith.index_cast %parallel_loop3A_279 : i32 to index
        %parallel_loop3A_282 = arith.index_cast %parallel_loop3A_280 : i32 to index
        %parallel_loop3A_283 = arith.index_cast %parallel_loop3A_278 : i32 to index
        %parallel_loop3A_284 = tpu.vector_load %arg7[%parallel_loop3A_281, %parallel_loop3A_282, %parallel_loop3A_283] {strides = array<i32>} : memref<4x1x4096xf32, #tpu.memory_space<vmem>>, vector<1x1x16xf32>,
        %parallel_loop3A_285 = vector.shape_cast %parallel_loop3A_284 : vector<1x1x16xf32> to vector<16xf32>
        %parallel_loop3A_286 = vector.shape_cast %parallel_loop3A_178 : vector<16xf32> to vector<1x1x16xf32>
        tpu.vector_store %arg7[%parallel_loop3A_281, %parallel_loop3A_282, %parallel_loop3A_283], %parallel_loop3A_286 {strides = array<i32>} : memref<4x1x4096xf32, #tpu.memory_space<vmem>>, vector<1x1x16xf32>,
        %parallel_loop3A_287 = arith.constant 64 : i32
        %parallel_loop3A_288 = arith.muli %parallel_loop3A_166, %parallel_loop3A_287 : i32
        %parallel_loop3A_289 = arith.constant 32 : i32
        %parallel_loop3A_290 = arith.addi %parallel_loop3A_288, %parallel_loop3A_289 : i32
        %parallel_loop3A_291 = arith.constant 0 : i32
        %parallel_loop3A_292 = arith.constant 0 : i32
        %parallel_loop3A_293 = arith.index_cast %parallel_loop3A_291 : i32 to index
        %parallel_loop3A_294 = arith.index_cast %parallel_loop3A_292 : i32 to index
        %parallel_loop3A_295 = arith.index_cast %parallel_loop3A_290 : i32 to index
        %parallel_loop3A_296 = tpu.vector_load %arg7[%parallel_loop3A_293, %parallel_loop3A_294, %parallel_loop3A_295] {strides = array<i32>} : memref<4x1x4096xf32, #tpu.memory_space<vmem>>, vector<1x1x16xf32>,
        %parallel_loop3A_297 = vector.shape_cast %parallel_loop3A_296 : vector<1x1x16xf32> to vector<16xf32>
        %parallel_loop3A_298 = vector.shape_cast %parallel_loop3A_184 : vector<16xf32> to vector<1x1x16xf32>
        tpu.vector_store %arg7[%parallel_loop3A_293, %parallel_loop3A_294, %parallel_loop3A_295], %parallel_loop3A_298 {strides = array<i32>} : memref<4x1x4096xf32, #tpu.memory_space<vmem>>, vector<1x1x16xf32>,
        %parallel_loop3A_299 = arith.constant 64 : i32
        %parallel_loop3A_300 = arith.muli %parallel_loop3A_166, %parallel_loop3A_299 : i32
        %parallel_loop3A_301 = arith.constant 48 : i32
        %parallel_loop3A_302 = arith.addi %parallel_loop3A_300, %parallel_loop3A_301 : i32
        %parallel_loop3A_303 = arith.constant 0 : i32
        %parallel_loop3A_304 = arith.constant 0 : i32
        %parallel_loop3A_305 = arith.index_cast %parallel_loop3A_303 : i32 to index
        %parallel_loop3A_306 = arith.index_cast %parallel_loop3A_304 : i32 to index
        %parallel_loop3A_307 = arith.index_cast %parallel_loop3A_302 : i32 to index
        %parallel_loop3A_308 = tpu.vector_load %arg7[%parallel_loop3A_305, %parallel_loop3A_306, %parallel_loop3A_307] {strides = array<i32>} : memref<4x1x4096xf32, #tpu.memory_space<vmem>>, vector<1x1x16xf32>,
        %parallel_loop3A_309 = vector.shape_cast %parallel_loop3A_308 : vector<1x1x16xf32> to vector<16xf32>
        %parallel_loop3A_310 = vector.shape_cast %parallel_loop3A_190 : vector<16xf32> to vector<1x1x16xf32>
        tpu.vector_store %arg7[%parallel_loop3A_305, %parallel_loop3A_306, %parallel_loop3A_307], %parallel_loop3A_310 {strides = array<i32>} : memref<4x1x4096xf32, #tpu.memory_space<vmem>>, vector<1x1x16xf32>,
        %parallel_loop3A_311 = arith.constant 64 : i32
        %parallel_loop3A_312 = arith.muli %parallel_loop3A_166, %parallel_loop3A_311 : i32
        %parallel_loop3A_313 = arith.constant 0 : i32
        %parallel_loop3A_314 = arith.addi %parallel_loop3A_312, %parallel_loop3A_313 : i32
        %parallel_loop3A_315 = arith.constant 1 : i32
        %parallel_loop3A_316 = arith.constant 0 : i32
        %parallel_loop3A_317 = arith.index_cast %parallel_loop3A_315 : i32 to index
        %parallel_loop3A_318 = arith.index_cast %parallel_loop3A_316 : i32 to index
        %parallel_loop3A_319 = arith.index_cast %parallel_loop3A_314 : i32 to index
        %parallel_loop3A_320 = tpu.vector_load %arg7[%parallel_loop3A_317, %parallel_loop3A_318, %parallel_loop3A_319] {strides = array<i32>} : memref<4x1x4096xf32, #tpu.memory_space<vmem>>, vector<1x1x16xf32>,
        %parallel_loop3A_321 = vector.shape_cast %parallel_loop3A_320 : vector<1x1x16xf32> to vector<16xf32>
        %parallel_loop3A_322 = vector.shape_cast %parallel_loop3A_196 : vector<16xf32> to vector<1x1x16xf32>
        tpu.vector_store %arg7[%parallel_loop3A_317, %parallel_loop3A_318, %parallel_loop3A_319], %parallel_loop3A_322 {strides = array<i32>} : memref<4x1x4096xf32, #tpu.memory_space<vmem>>, vector<1x1x16xf32>,
        %parallel_loop3A_323 = arith.constant 64 : i32
        %parallel_loop3A_324 = arith.muli %parallel_loop3A_166, %parallel_loop3A_323 : i32
        %parallel_loop3A_325 = arith.constant 16 : i32
        %parallel_loop3A_326 = arith.addi %parallel_loop3A_324, %parallel_loop3A_325 : i32
        %parallel_loop3A_327 = arith.constant 1 : i32
        %parallel_loop3A_328 = arith.constant 0 : i32
        %parallel_loop3A_329 = arith.index_cast %parallel_loop3A_327 : i32 to index
        %parallel_loop3A_330 = arith.index_cast %parallel_loop3A_328 : i32 to index
        %parallel_loop3A_331 = arith.index_cast %parallel_loop3A_326 : i32 to index
        %parallel_loop3A_332 = tpu.vector_load %arg7[%parallel_loop3A_329, %parallel_loop3A_330, %parallel_loop3A_331] {strides = array<i32>} : memref<4x1x4096xf32, #tpu.memory_space<vmem>>, vector<1x1x16xf32>,
        %parallel_loop3A_333 = vector.shape_cast %parallel_loop3A_332 : vector<1x1x16xf32> to vector<16xf32>
        %parallel_loop3A_334 = vector.shape_cast %parallel_loop3A_202 : vector<16xf32> to vector<1x1x16xf32>
        tpu.vector_store %arg7[%parallel_loop3A_329, %parallel_loop3A_330, %parallel_loop3A_331], %parallel_loop3A_334 {strides = array<i32>} : memref<4x1x4096xf32, #tpu.memory_space<vmem>>, vector<1x1x16xf32>,
        %parallel_loop3A_335 = arith.constant 64 : i32
        %parallel_loop3A_336 = arith.muli %parallel_loop3A_166, %parallel_loop3A_335 : i32
        %parallel_loop3A_337 = arith.constant 32 : i32
        %parallel_loop3A_338 = arith.addi %parallel_loop3A_336, %parallel_loop3A_337 : i32
        %parallel_loop3A_339 = arith.constant 1 : i32
        %parallel_loop3A_340 = arith.constant 0 : i32
        %parallel_loop3A_341 = arith.index_cast %parallel_loop3A_339 : i32 to index
        %parallel_loop3A_342 = arith.index_cast %parallel_loop3A_340 : i32 to index
        %parallel_loop3A_343 = arith.index_cast %parallel_loop3A_338 : i32 to index
        %parallel_loop3A_344 = tpu.vector_load %arg7[%parallel_loop3A_341, %parallel_loop3A_342, %parallel_loop3A_343] {strides = array<i32>} : memref<4x1x4096xf32, #tpu.memory_space<vmem>>, vector<1x1x16xf32>,
        %parallel_loop3A_345 = vector.shape_cast %parallel_loop3A_344 : vector<1x1x16xf32> to vector<16xf32>
        %parallel_loop3A_346 = vector.shape_cast %parallel_loop3A_208 : vector<16xf32> to vector<1x1x16xf32>
        tpu.vector_store %arg7[%parallel_loop3A_341, %parallel_loop3A_342, %parallel_loop3A_343], %parallel_loop3A_346 {strides = array<i32>} : memref<4x1x4096xf32, #tpu.memory_space<vmem>>, vector<1x1x16xf32>,
        %parallel_loop3A_347 = arith.constant 64 : i32
        %parallel_loop3A_348 = arith.muli %parallel_loop3A_166, %parallel_loop3A_347 : i32
        %parallel_loop3A_349 = arith.constant 48 : i32
        %parallel_loop3A_350 = arith.addi %parallel_loop3A_348, %parallel_loop3A_349 : i32
        %parallel_loop3A_351 = arith.constant 1 : i32
        %parallel_loop3A_352 = arith.constant 0 : i32
        %parallel_loop3A_353 = arith.index_cast %parallel_loop3A_351 : i32 to index
        %parallel_loop3A_354 = arith.index_cast %parallel_loop3A_352 : i32 to index
        %parallel_loop3A_355 = arith.index_cast %parallel_loop3A_350 : i32 to index
        %parallel_loop3A_356 = tpu.vector_load %arg7[%parallel_loop3A_353, %parallel_loop3A_354, %parallel_loop3A_355] {strides = array<i32>} : memref<4x1x4096xf32, #tpu.memory_space<vmem>>, vector<1x1x16xf32>,
        %parallel_loop3A_357 = vector.shape_cast %parallel_loop3A_356 : vector<1x1x16xf32> to vector<16xf32>
        %parallel_loop3A_358 = vector.shape_cast %parallel_loop3A_214 : vector<16xf32> to vector<1x1x16xf32>
        tpu.vector_store %arg7[%parallel_loop3A_353, %parallel_loop3A_354, %parallel_loop3A_355], %parallel_loop3A_358 {strides = array<i32>} : memref<4x1x4096xf32, #tpu.memory_space<vmem>>, vector<1x1x16xf32>,
        %parallel_loop3A_359 = arith.constant 64 : i32
        %parallel_loop3A_360 = arith.muli %parallel_loop3A_166, %parallel_loop3A_359 : i32
        %parallel_loop3A_361 = arith.constant 0 : i32
        %parallel_loop3A_362 = arith.addi %parallel_loop3A_360, %parallel_loop3A_361 : i32
        %parallel_loop3A_363 = arith.constant 2 : i32
        %parallel_loop3A_364 = arith.constant 0 : i32
        %parallel_loop3A_365 = arith.index_cast %parallel_loop3A_363 : i32 to index
        %parallel_loop3A_366 = arith.index_cast %parallel_loop3A_364 : i32 to index
        %parallel_loop3A_367 = arith.index_cast %parallel_loop3A_362 : i32 to index
        %parallel_loop3A_368 = tpu.vector_load %arg7[%parallel_loop3A_365, %parallel_loop3A_366, %parallel_loop3A_367] {strides = array<i32>} : memref<4x1x4096xf32, #tpu.memory_space<vmem>>, vector<1x1x16xf32>,
        %parallel_loop3A_369 = vector.shape_cast %parallel_loop3A_368 : vector<1x1x16xf32> to vector<16xf32>
        %parallel_loop3A_370 = vector.shape_cast %parallel_loop3A_220 : vector<16xf32> to vector<1x1x16xf32>
        tpu.vector_store %arg7[%parallel_loop3A_365, %parallel_loop3A_366, %parallel_loop3A_367], %parallel_loop3A_370 {strides = array<i32>} : memref<4x1x4096xf32, #tpu.memory_space<vmem>>, vector<1x1x16xf32>,
        %parallel_loop3A_371 = arith.constant 64 : i32
        %parallel_loop3A_372 = arith.muli %parallel_loop3A_166, %parallel_loop3A_371 : i32
        %parallel_loop3A_373 = arith.constant 16 : i32
        %parallel_loop3A_374 = arith.addi %parallel_loop3A_372, %parallel_loop3A_373 : i32
        %parallel_loop3A_375 = arith.constant 2 : i32
        %parallel_loop3A_376 = arith.constant 0 : i32
        %parallel_loop3A_377 = arith.index_cast %parallel_loop3A_375 : i32 to index
        %parallel_loop3A_378 = arith.index_cast %parallel_loop3A_376 : i32 to index
        %parallel_loop3A_379 = arith.index_cast %parallel_loop3A_374 : i32 to index
        %parallel_loop3A_380 = tpu.vector_load %arg7[%parallel_loop3A_377, %parallel_loop3A_378, %parallel_loop3A_379] {strides = array<i32>} : memref<4x1x4096xf32, #tpu.memory_space<vmem>>, vector<1x1x16xf32>,
        %parallel_loop3A_381 = vector.shape_cast %parallel_loop3A_380 : vector<1x1x16xf32> to vector<16xf32>
        %parallel_loop3A_382 = vector.shape_cast %parallel_loop3A_226 : vector<16xf32> to vector<1x1x16xf32>
        tpu.vector_store %arg7[%parallel_loop3A_377, %parallel_loop3A_378, %parallel_loop3A_379], %parallel_loop3A_382 {strides = array<i32>} : memref<4x1x4096xf32, #tpu.memory_space<vmem>>, vector<1x1x16xf32>,
        %parallel_loop3A_383 = arith.constant 64 : i32
        %parallel_loop3A_384 = arith.muli %parallel_loop3A_166, %parallel_loop3A_383 : i32
        %parallel_loop3A_385 = arith.constant 32 : i32
        %parallel_loop3A_386 = arith.addi %parallel_loop3A_384, %parallel_loop3A_385 : i32
        %parallel_loop3A_387 = arith.constant 2 : i32
        %parallel_loop3A_388 = arith.constant 0 : i32
        %parallel_loop3A_389 = arith.index_cast %parallel_loop3A_387 : i32 to index
        %parallel_loop3A_390 = arith.index_cast %parallel_loop3A_388 : i32 to index
        %parallel_loop3A_391 = arith.index_cast %parallel_loop3A_386 : i32 to index
        %parallel_loop3A_392 = tpu.vector_load %arg7[%parallel_loop3A_389, %parallel_loop3A_390, %parallel_loop3A_391] {strides = array<i32>} : memref<4x1x4096xf32, #tpu.memory_space<vmem>>, vector<1x1x16xf32>,
        %parallel_loop3A_393 = vector.shape_cast %parallel_loop3A_392 : vector<1x1x16xf32> to vector<16xf32>
        %parallel_loop3A_394 = vector.shape_cast %parallel_loop3A_232 : vector<16xf32> to vector<1x1x16xf32>
        tpu.vector_store %arg7[%parallel_loop3A_389, %parallel_loop3A_390, %parallel_loop3A_391], %parallel_loop3A_394 {strides = array<i32>} : memref<4x1x4096xf32, #tpu.memory_space<vmem>>, vector<1x1x16xf32>,
        %parallel_loop3A_395 = arith.constant 64 : i32
        %parallel_loop3A_396 = arith.muli %parallel_loop3A_166, %parallel_loop3A_395 : i32
        %parallel_loop3A_397 = arith.constant 48 : i32
        %parallel_loop3A_398 = arith.addi %parallel_loop3A_396, %parallel_loop3A_397 : i32
        %parallel_loop3A_399 = arith.constant 2 : i32
        %parallel_loop3A_400 = arith.constant 0 : i32
        %parallel_loop3A_401 = arith.index_cast %parallel_loop3A_399 : i32 to index
        %parallel_loop3A_402 = arith.index_cast %parallel_loop3A_400 : i32 to index
        %parallel_loop3A_403 = arith.index_cast %parallel_loop3A_398 : i32 to index
        %parallel_loop3A_404 = tpu.vector_load %arg7[%parallel_loop3A_401, %parallel_loop3A_402, %parallel_loop3A_403] {strides = array<i32>} : memref<4x1x4096xf32, #tpu.memory_space<vmem>>, vector<1x1x16xf32>,
        %parallel_loop3A_405 = vector.shape_cast %parallel_loop3A_404 : vector<1x1x16xf32> to vector<16xf32>
        %parallel_loop3A_406 = vector.shape_cast %parallel_loop3A_238 : vector<16xf32> to vector<1x1x16xf32>
        tpu.vector_store %arg7[%parallel_loop3A_401, %parallel_loop3A_402, %parallel_loop3A_403], %parallel_loop3A_406 {strides = array<i32>} : memref<4x1x4096xf32, #tpu.memory_space<vmem>>, vector<1x1x16xf32>,
        %parallel_loop3A_407 = arith.constant 64 : i32
        %parallel_loop3A_408 = arith.muli %parallel_loop3A_166, %parallel_loop3A_407 : i32
        %parallel_loop3A_409 = arith.constant 0 : i32
        %parallel_loop3A_410 = arith.addi %parallel_loop3A_408, %parallel_loop3A_409 : i32
        %parallel_loop3A_411 = arith.constant 3 : i32
        %parallel_loop3A_412 = arith.constant 0 : i32
        %parallel_loop3A_413 = arith.index_cast %parallel_loop3A_411 : i32 to index
        %parallel_loop3A_414 = arith.index_cast %parallel_loop3A_412 : i32 to index
        %parallel_loop3A_415 = arith.index_cast %parallel_loop3A_410 : i32 to index
        %parallel_loop3A_416 = tpu.vector_load %arg7[%parallel_loop3A_413, %parallel_loop3A_414, %parallel_loop3A_415] {strides = array<i32>} : memref<4x1x4096xf32, #tpu.memory_space<vmem>>, vector<1x1x16xf32>,
        %parallel_loop3A_417 = vector.shape_cast %parallel_loop3A_416 : vector<1x1x16xf32> to vector<16xf32>
        %parallel_loop3A_418 = vector.shape_cast %parallel_loop3A_244 : vector<16xf32> to vector<1x1x16xf32>
        tpu.vector_store %arg7[%parallel_loop3A_413, %parallel_loop3A_414, %parallel_loop3A_415], %parallel_loop3A_418 {strides = array<i32>} : memref<4x1x4096xf32, #tpu.memory_space<vmem>>, vector<1x1x16xf32>,
        %parallel_loop3A_419 = arith.constant 64 : i32
        %parallel_loop3A_420 = arith.muli %parallel_loop3A_166, %parallel_loop3A_419 : i32
        %parallel_loop3A_421 = arith.constant 16 : i32
        %parallel_loop3A_422 = arith.addi %parallel_loop3A_420, %parallel_loop3A_421 : i32
        %parallel_loop3A_423 = arith.constant 3 : i32
        %parallel_loop3A_424 = arith.constant 0 : i32
        %parallel_loop3A_425 = arith.index_cast %parallel_loop3A_423 : i32 to index
        %parallel_loop3A_426 = arith.index_cast %parallel_loop3A_424 : i32 to index
        %parallel_loop3A_427 = arith.index_cast %parallel_loop3A_422 : i32 to index
        %parallel_loop3A_428 = tpu.vector_load %arg7[%parallel_loop3A_425, %parallel_loop3A_426, %parallel_loop3A_427] {strides = array<i32>} : memref<4x1x4096xf32, #tpu.memory_space<vmem>>, vector<1x1x16xf32>,
        %parallel_loop3A_429 = vector.shape_cast %parallel_loop3A_428 : vector<1x1x16xf32> to vector<16xf32>
        %parallel_loop3A_430 = vector.shape_cast %parallel_loop3A_250 : vector<16xf32> to vector<1x1x16xf32>
        tpu.vector_store %arg7[%parallel_loop3A_425, %parallel_loop3A_426, %parallel_loop3A_427], %parallel_loop3A_430 {strides = array<i32>} : memref<4x1x4096xf32, #tpu.memory_space<vmem>>, vector<1x1x16xf32>,
        %parallel_loop3A_431 = arith.constant 64 : i32
        %parallel_loop3A_432 = arith.muli %parallel_loop3A_166, %parallel_loop3A_431 : i32
        %parallel_loop3A_433 = arith.constant 32 : i32
        %parallel_loop3A_434 = arith.addi %parallel_loop3A_432, %parallel_loop3A_433 : i32
        %parallel_loop3A_435 = arith.constant 3 : i32
        %parallel_loop3A_436 = arith.constant 0 : i32
        %parallel_loop3A_437 = arith.index_cast %parallel_loop3A_435 : i32 to index
        %parallel_loop3A_438 = arith.index_cast %parallel_loop3A_436 : i32 to index
        %parallel_loop3A_439 = arith.index_cast %parallel_loop3A_434 : i32 to index
        %parallel_loop3A_440 = tpu.vector_load %arg7[%parallel_loop3A_437, %parallel_loop3A_438, %parallel_loop3A_439] {strides = array<i32>} : memref<4x1x4096xf32, #tpu.memory_space<vmem>>, vector<1x1x16xf32>,
        %parallel_loop3A_441 = vector.shape_cast %parallel_loop3A_440 : vector<1x1x16xf32> to vector<16xf32>
        %parallel_loop3A_442 = vector.shape_cast %parallel_loop3A_256 : vector<16xf32> to vector<1x1x16xf32>
        tpu.vector_store %arg7[%parallel_loop3A_437, %parallel_loop3A_438, %parallel_loop3A_439], %parallel_loop3A_442 {strides = array<i32>} : memref<4x1x4096xf32, #tpu.memory_space<vmem>>, vector<1x1x16xf32>,
        %parallel_loop3A_443 = arith.constant 64 : i32
        %parallel_loop3A_444 = arith.muli %parallel_loop3A_166, %parallel_loop3A_443 : i32
        %parallel_loop3A_445 = arith.constant 48 : i32
        %parallel_loop3A_446 = arith.addi %parallel_loop3A_444, %parallel_loop3A_445 : i32
        %parallel_loop3A_447 = arith.constant 3 : i32
        %parallel_loop3A_448 = arith.constant 0 : i32
        %parallel_loop3A_449 = arith.index_cast %parallel_loop3A_447 : i32 to index
        %parallel_loop3A_450 = arith.index_cast %parallel_loop3A_448 : i32 to index
        %parallel_loop3A_451 = arith.index_cast %parallel_loop3A_446 : i32 to index
        %parallel_loop3A_452 = tpu.vector_load %arg7[%parallel_loop3A_449, %parallel_loop3A_450, %parallel_loop3A_451] {strides = array<i32>} : memref<4x1x4096xf32, #tpu.memory_space<vmem>>, vector<1x1x16xf32>,
        %parallel_loop3A_453 = vector.shape_cast %parallel_loop3A_452 : vector<1x1x16xf32> to vector<16xf32>
        %parallel_loop3A_454 = vector.shape_cast %parallel_loop3A_262 : vector<16xf32> to vector<1x1x16xf32>
        tpu.vector_store %arg7[%parallel_loop3A_449, %parallel_loop3A_450, %parallel_loop3A_451], %parallel_loop3A_454 {strides = array<i32>} : memref<4x1x4096xf32, #tpu.memory_space<vmem>>, vector<1x1x16xf32>,
      } {sc.loop_unroll_factor = 4 : i64, sc.parallel_access}
      %add3A_156 = arith.addi %mul3A_72, %add3A_140 : i32
      %dma_start3A_157 = arith.constant 0 : i32
      %dma_start3A_158 = tpu.memref_slice %arg3[%add3A_79, %add3A_156, %dma_start3A_157] : memref<32x256x4096xf32, #tpu.memory_space<hbm>> -> memref<4x1x4096xf32, #tpu.memory_space<hbm>>
      %dma_start3A_159 = arith.constant 0 : i32
      %dma_start3A_160 = tpu.memref_slice %arg3[%add3A_79, %add3A_156, %dma_start3A_159] : memref<32x256x4096xf32, #tpu.memory_space<hbm>> -> memref<4x1x4096xf32, #tpu.memory_space<hbm>>
      tpu.enqueue_dma source(%arg7 : memref<4x1x4096xf32, #tpu.memory_space<vmem>>) target(%dma_start3A_160 : memref<4x1x4096xf32, #tpu.memory_space<hbm>>) target_semaphore(%arg11 : memref<!tpu.dma_semaphore, #tpu.memory_space<semaphore_mem>>)
      %lt3A_161 = arith.constant 31 : i32
      %lt3A_162 = arith.cmpi slt, %scan3A_111, %lt3A_161 : i32
      %convert_element_type3A_163 = arith.extui %lt3A_162 : i1 to i32
      %cond3A_164 = arith.constant 0 : i32
      %cond3A_165 = arith.cmpi ne, %convert_element_type3A_163, %cond3A_164 : i32
      scf.if %cond3A_165 {
        %add3A_166 = arith.constant 2 : i32
        %add3A_167 = arith.addi %add3A_140, %add3A_166 : i32
        %add3A_168 = arith.addi %mul3A_72, %add3A_167 : i32
        %dma_start3A_169 = arith.constant 0 : i32
        %dma_start3A_170 = tpu.memref_slice %arg2[%select_n3A_40, %add3A_168, %mul3A_74, %dma_start3A_169] : memref<2x256x256x256xf32, #tpu.memory_space<hbm>> -> memref<1x1x64x256xf32, #tpu.memory_space<hbm>>
        %dma_start3A_171 = tpu.memref_squeeze %dma_start3A_170 : memref<1x1x64x256xf32, #tpu.memory_space<hbm>> -> memref<1x64x256xf32, #tpu.memory_space<hbm>>
        %dma_start3A_172 = arith.constant 0 : i32
        %dma_start3A_173 = tpu.memref_slice %arg2[%select_n3A_40, %add3A_168, %mul3A_74, %dma_start3A_172] : memref<2x256x256x256xf32, #tpu.memory_space<hbm>> -> memref<1x1x64x256xf32, #tpu.memory_space<hbm>>
        %dma_start3A_174 = tpu.memref_squeeze %dma_start3A_173 : memref<1x1x64x256xf32, #tpu.memory_space<hbm>> -> memref<1x64x256xf32, #tpu.memory_space<hbm>>
        tpu.enqueue_dma source(%dma_start3A_174 : memref<1x64x256xf32, #tpu.memory_space<hbm>>) target(%arg5 : memref<1x64x256xf32, #tpu.memory_space<vmem>>) target_semaphore(%arg9 : memref<!tpu.dma_semaphore, #tpu.memory_space<semaphore_mem>>)
      } else {
      }
    }
    %scan3A_99 = arith.constant 32 : i32
    %add3A_100 = arith.constant 62 : i32
    %add3A_101 = arith.addi %mul3A_72, %add3A_100 : i32
    %dma_wait3A = arith.constant 0 : i32
    %dma_wait3A_102 = tpu.memref_slice %arg3[%add3A_79, %add3A_101, %dma_wait3A] : memref<32x256x4096xf32, #tpu.memory_space<hbm>> -> memref<4x1x4096xf32, #tpu.memory_space<hbm>>
    %dma_wait3A_103 = arith.constant 0 : i32
    %dma_wait3A_104 = tpu.memref_slice %arg3[%add3A_79, %add3A_101, %dma_wait3A_103] : memref<32x256x4096xf32, #tpu.memory_space<hbm>> -> memref<4x1x4096xf32, #tpu.memory_space<hbm>>
    tpu.wait_dma2 semaphore(%arg10 : memref<!tpu.dma_semaphore, #tpu.memory_space<semaphore_mem>>) src(%arg6 : memref<4x1x4096xf32, #tpu.memory_space<vmem>>) dst(%dma_wait3A_104 : memref<4x1x4096xf32, #tpu.memory_space<hbm>>)
    %add3A_105 = arith.constant 63 : i32
    %add3A_106 = arith.addi %mul3A_72, %add3A_105 : i32
    %dma_wait3A_107 = arith.constant 0 : i32
    %dma_wait3A_108 = tpu.memref_slice %arg3[%add3A_79, %add3A_106, %dma_wait3A_107] : memref<32x256x4096xf32, #tpu.memory_space<hbm>> -> memref<4x1x4096xf32, #tpu.memory_space<hbm>>
    %dma_wait3A_109 = arith.constant 0 : i32
    %dma_wait3A_110 = tpu.memref_slice %arg3[%add3A_79, %add3A_106, %dma_wait3A_109] : memref<32x256x4096xf32, #tpu.memory_space<hbm>> -> memref<4x1x4096xf32, #tpu.memory_space<hbm>>
    tpu.wait_dma2 semaphore(%arg11 : memref<!tpu.dma_semaphore, #tpu.memory_space<semaphore_mem>>) src(%arg7 : memref<4x1x4096xf32, #tpu.memory_space<vmem>>) dst(%dma_wait3A_110 : memref<4x1x4096xf32, #tpu.memory_space<hbm>>)
    return
  }
}

</mosaic_0001>

<sc_bundles>
// kernel: kernel.3.cloned.1.call-start
scs
__scs_entry_jumppad:
0x0: {  	(pc) =	sbr.rel $0x88, $3  }
0x1: {  	(tag) =	ssettag $0x0;
	lr =	simm.s32 $0x1  }
0x2: {  	[smem:$0x3FA0] =	sst lr;
	_ =	strace $0xD0000000  }
0x3: {  	_ = 	snop  }
0x4: {  	_ = 	snop  }
0x5: {  	_ = 	snop  }
0x6: {  	_ = 	snop  }
0x7: {  	_ = 	snop  }
__scs_overlays_trampoline_lowered:
0x8: {  	[smem:$0x3FAF] =	sst s0  }
0x9: {  	[smem:$0x3FB0] =	sst s1  }
0xa: {  	[smem:$0x3FB1] =	sst s2  }
0xb: {  	[smem:$0x3FB2] =	sst s3  }
0xc: {  	[smem:$0x3FB3] =	sst s4  }
0xd: {  	[smem:$0x3FB4] =	sst s5  }
0xe: {  	[smem:$0x3FB5] =	sst s6  }
0xf: {  	[smem:$0x3FB6] =	sst s7  }
0x10: {  	[smem:$0x3FB7] =	sst s8  }
0x11: {  	[smem:$0x3FB8] =	sst s9;
	s0 =	simm.s32 @!p0 $0x0  }
0x12: {  	s1 =	sld [smem:$0x3F9E];
	s0 =	simm.s32 @p0 $0x1  }
0x13: {  	[smem:$0x3FB9] =	sst s0;
	s0 =	simm.s32 @!p1 $0x0  }
0x14: {  	s2 =	sld [smem:$0x3F9D];
	s0 =	simm.s32 @p1 $0x1  }
0x15: {  	[smem:$0x3FBA] =	sst s0;
	s0 =	simm.s32 @!p2 $0x0  }
0x16: {  	s3 =	sld [smem:$0x3FDB];
	s0 =	simm.s32 @p2 $0x1  }
0x17: {  	s4 =	simm.s32 $0x1BF5;
	[smem:$0x3FBC] =	sst s0  }
0x18: {  	s0 =	sld [smem:$0x3F9F];
	_ =	swait.ge [sflag:s4], $0x0  }
0x19: {  	s7 =	sld [smem:$0x3FA0]  }
0x1a: {  	s8 =	sadd.s32 $0xFFFFE003, lr  }
0x1b: {  	s9 =	sadd.s32 $0xFFFFFEF7, lr;
	s5 =	simm.s32 $0xFFFFFFFF;
	p2 =	slt.u32 s8, $0xFFFFF086  }
0x1c: {  	p1 =	slt.u32 s9, $0xF7A;
	s5 =	simm.s32 @!p2 $0x0  }
0x1d: {  	s5 =	simm.s32 @p1 $0x1;
	p0 =	seq.s32 s7, s2  }
0x1e: {  	s7 =	smul.u32 @!p0 $0xF7A, s2;
	p2 =	seq.s32 @!p0 s5, $0x0  }
0x1f: {  	s9 =	smul.u32 $0xF7A, s1;
	s8 =	simm.s32 @!p0 $0x1BF5;
	p2 =	por !p2, p0  }
0x20: {  	[sflag:s8] =	ssyncset.s32 @!p0 $0xFFFFF086;
	s6 =	sadd.s32 @!p0 s3, s7;
	s7 =	simm.s32 @!p0 $0x108  }
0x21: {  	s3 =	sadd.s32 s3, s9;
	s6 =	sadd.s32 @!p0 $0x88, s6;
	s7 =	simm.s32 @p2 $0x1082  }
0x22: {  	[simem:s7], [sflag:s8] =	dma.local @!p0 [hbm:s6], $0xF7A  }
0x23: {  	s9 =	sor.u32 $0xD0000000, s2;
	s6 =	simm.s32 $0x108;
	_ =	swait.ge @!p0 [sflag:s8], $0x0  }
0x24: {  	s3 =	sadd.s32 $0x88, s3;
	s6 =	simm.s32 @!p1 $0x1082;
	[sflag:s4] =	ssyncset.s32 $0xFFFFF086  }
0x25: {  	[simem:s6], [sflag:s4] =	dma.local [hbm:s3], $0xF7A  }
0x26: {  	[smem:$0x3FA0] =	sst s1;
	(tag) =	ssettag s2;
	_ =	strace s9  }
0x27: {  	s1 =	sld [smem:$0x3FB0]  }
0x28: {  	s2 =	sld [smem:$0x3FB1]  }
0x29: {  	s4 =	sld [smem:$0x3FB3]  }
0x2a: {  	p0 =	seq.s32 s5, $0x0;
	s5 =	sld [smem:$0x3FB4]  }
0x2b: {  	s6 =	sld [smem:$0x3FB5]  }
0x2c: {  	s7 =	sld [smem:$0x3FB6]  }
0x2d: {  	s3 =	simm.s32 $0x108;
	s8 =	sld [smem:$0x3FB7]  }
0x2e: {  	s3 =	simm.s32 @!p0 $0x1082;
	s9 =	sld [smem:$0x3FB8]  }
0x2f: {  	lr =	sadd.s32 s0, s3;
	s0 =	sld [smem:$0x3FAF]  }
0x30: {  	s3 =	sld [smem:$0x3FB2]  }
0x31: {  	[smem:$0x3FBB] =	sst s10  }
0x32: {  	s10 =	sld [smem:$0x3FB9];
	_ =	sdelay $0x3  }
0x33: {  	p0 =	seq.s32 s10, $0x1;
	s10 =	sld [smem:$0x3FBB];
	_ =	sdelay $0x3  }
0x34: {  	[smem:$0x3FBB] =	sst s10  }
0x35: {  	s10 =	sld [smem:$0x3FBA];
	_ =	sdelay $0x3  }
0x36: {  	p1 =	seq.s32 s10, $0x1;
	s10 =	sld [smem:$0x3FBB];
	_ =	sdelay $0x3  }
0x37: {  	[smem:$0x3FBB] =	sst s10  }
0x38: {  	s10 =	sld [smem:$0x3FBC]  }
0x39: {  	_ = 	snop;
	(pc) =	sbr.ind lr, $3  }
0x3a: {  	_ = 	snop  }
0x3b: {  	_ = 	snop  }
0x3c: {  	p2 =	seq.s32 s10, $0x1;
	s10 =	sld [smem:$0x3FBB]  }
0x3d: {  	_ =	shalt  }
0x3e: {  	_ =	shalt  }
0x3f: {  	_ =	shalt  }
0x40: {  	_ =	shalt  }
0x41: {  	_ =	shalt  }
0x42: {  	_ =	shalt  }
0x43: {  	_ =	shalt  }
0x44: {  	_ =	shalt  }
0x45: {  	_ =	shalt  }
0x46: {  	_ =	shalt  }
0x47: {  	_ =	shalt  }
0x48: {  	_ =	shalt  }
0x49: {  	_ =	shalt  }
0x4a: {  	_ =	shalt  }
0x4b: {  	_ =	shalt  }
0x4c: {  	_ =	shalt  }
0x4d: {  	_ =	shalt  }
0x4e: {  	_ =	shalt  }
0x4f: {  	_ =	shalt  }
0x50: {  	_ =	shalt  }
0x51: {  	_ =	shalt  }
0x52: {  	_ =	shalt  }
0x53: {  	_ =	shalt  }
0x54: {  	_ =	shalt  }
0x55: {  	_ =	shalt  }
0x56: {  	_ =	shalt  }
0x57: {  	_ =	shalt  }
0x58: {  	_ =	shalt  }
0x59: {  	_ =	shalt  }
0x5a: {  	_ =	shalt  }
0x5b: {  	_ =	shalt  }
0x5c: {  	_ =	shalt  }
0x5d: {  	_ =	shalt  }
0x5e: {  	_ =	shalt  }
0x5f: {  	_ =	shalt  }
0x60: {  	_ =	shalt  }
0x61: {  	_ =	shalt  }
0x62: {  	_ =	shalt  }
0x63: {  	_ =	shalt  }
0x64: {  	_ =	shalt  }
0x65: {  	_ =	shalt  }
0x66: {  	_ =	shalt  }
0x67: {  	_ =	shalt  }
0x68: {  	_ =	shalt  }
0x69: {  	_ =	shalt  }
0x6a: {  	_ =	shalt  }
0x6b: {  	_ =	shalt  }
0x6c: {  	_ =	shalt  }
0x6d: {  	_ =	shalt  }
0x6e: {  	_ =	shalt  }
0x6f: {  	_ =	shalt  }
0x70: {  	_ =	shalt  }
0x71: {  	_ =	shalt  }
0x72: {  	_ =	shalt  }
0x73: {  	_ =	shalt  }
0x74: {  	_ =	shalt  }
0x75: {  	_ =	shalt  }
0x76: {  	_ =	shalt  }
0x77: {  	_ =	shalt  }
0x78: {  	_ =	shalt  }
0x79: {  	_ =	shalt  }
0x7a: {  	_ =	shalt  }
0x7b: {  	_ =	shalt  }
0x7c: {  	_ =	shalt  }
0x7d: {  	_ =	shalt  }
0x7e: {  	_ =	shalt  }
0x7f: {  	_ =	shalt  }
0x80: {  	_ =	shalt  }
0x81: {  	_ =	shalt  }
0x82: {  	_ =	shalt  }
0x83: {  	_ =	shalt  }
0x84: {  	_ =	shalt  }
0x85: {  	_ =	shalt  }
0x86: {  	_ =	shalt  }
0x87: {  	_ =	shalt  }
.Lfunc_end0:
.L_simem_size_0:
called_computation_lowered:
.L_overlay_start_0:
0x88: {  	s2 =	sld [smem:$0x3FD9]  }
0x89: {  	s3 =	sld [smem:$0x3FFE];
	_ =	sdelay $0x1  }
0x8a: {  	s1 =	srdreg.scid  }
0x8b: {  	s0 =	sand.u32 $0x1, s1  }
0x8c: {  	s17 =	sshll.u32 s0, $0xA;
	s2 =	sadd.s32 s3, s2  }
0x8d: {  	s2 =	sadd.s32 s2, s17  }
0x8e: {  	[smem:$0x3FC7] =	sst s2  }
0x8f: {  	_ = 	snop  }
0x90: {  	s2 =	sld [smem:$0x3FC9];
	(tm) =	ssettm $0x1  }
0x91: {  	s18 =	sld [smem:$0x3FFB];
	_ =	sdelay $0x3  }
0x92: {  	_ =	strace s18  }
0x93: {  	s3 =	sld [smem:$0x3FFC];
	_ =	sdelay $0x3  }
0x94: {  	_ =	strace s3  }
0x95: {  	s3 =	sld [smem:$0x3FFD];
	_ =	sdelay $0x3  }
0x96: {  	_ =	strace s3  }
0x97: {  	_ =	strace $0x8FFFFFFF  }
0x98: {  	s19 =	sld [smem:$0x3FDB];
	_ =	sdelay $0x1  }
0x99: {  	s4 =	simm.s32 $_scs_section_size  }
0x9a: {  	s5 =	simm.s32 $_size__tile_overlayer_lowered;
	s6 =	simm.s32 $_tile_overlayer_lowered  }
0x9b: {  	s22 =	simm.s32 $0x1BFF;
	s21 =	sshll.u32 s6, $0x1;
	s3 =	sadd.s32 s4, s19  }
0x9c: {  	s7 =	simm.s32 $0x0;
	s20 =	sshll.u32 s5, $0x1;
	s5 =	sadd.s32 s21, s3  }
0x9d: {  	[timem:s7], [sflag:s22] =	dma.local [hbm:s5], s20  }
0x9e: {  	_ =	swait.ge [sflag:s22], s20  }
0x9f: {  	s4 =	ssub.s32 $0x0, s20;
	[sflag:s22] =	ssyncset.done $0x0  }
0xa0: {  	[sflag:s22] =	ssyncadd.s32 s4;
	_ =	sdelay $0x1  }
0xa1: {  	s23 =	simm.s32 $0x1B8B  }
0xa2: {  	_ =	swait.ge [sflag:s23], $0x1  }
0xa3: {  	[sflag:s23] =	ssyncset.done $0x0  }
0xa4: {  	s25 =	simm.s32 $0x1B8E;
	s24 =	sld [smem:$0x3FFE];
	[sflag:s23] =	ssyncadd.s32 $0xFFFFFFFF  }
0xa5: {  	s26 =	simm.s32 $execute0_lowered;
	[smem:$0x3FD2] =	sst s25  }
0xa6: {  	s5 =	sshll.u32 s26, $0x1;
	_ =	strace $0x80000046;
	[dreg:$0x1] =	wrdreg $0xFFFFFFFF  }
0xa7: {  	s28 =	simm.s32 $_size_execute0_lowered;
	s3 =	sadd.s32 s3, s5;
	[dreg:$0x0] =	wrdreg $0x0  }
0xa8: {  	s5 =	sshll.u32 s28, $0x1;
	[dreg:$0x2] =	wrdreg s3  }
0xa9: {  	[dreg:$0x3] =	wrdreg s5  }
0xaa: {  	[dreg:$0x4] =	wrdreg $0xC0  }
0xab: {  	_ =	task [dreg:s7], $0x5FFFF  }
0xac: {  	[dreg:$0x1] =	wrdreg $0xFFFFFFFF  }
0xad: {  	[dreg:$0x0] =	wrdreg $0x60  }
0xae: {  	[dreg:$0x2] =	wrdreg s2  }
0xaf: {  	[dreg:$0x3] =	wrdreg s24  }
0xb0: {  	[dreg:$0x4] =	wrdreg $0x9  }
0xb1: {  	_ =	task.clear_ibuf [dreg:s7], $0x5FFFF;
	_ =	strace $0x90000046  }
0xb2: {  	s29 =	simm.s32 $0x9;
	_ =	strace $0x80000048  }
0xb3: {  	_ =	swait.ge [sflag:s29], $0x1  }
0xb4: {  	[sflag:s29] =	ssyncadd.s32 $0xFFFFFFFF  }
0xb5: {  	_ =	strace $0x90000048  }
0xb6: {  	_ =	sfence  }
0xb7: {  	s30 =	sld [smem:$0x0];
	_ =	sdelay $0x2  }
0xb8: {  	s31 =	sshll.u32 s1, $0xD;
	s1 =	sshrl.u32 s1, $0x2  }
0xb9: {  	s3 =	sand.u32 $0x4000, s31;
	s1 =	sadd.s32 s1, s30  }
0xba: {  	s0 =	sor.u32 s3, s0;
	s1 =	sshll.u32 s1, $0x11  }
0xbb: {  	s0 =	sor.u32 s1, s0  }
0xbc: {  	s0 =	sadd.s32 $0x8F2B, s0  }
0xbd: {  	[sflag:s0] =	ssyncadd.remote.s32 $0x1  }
0xbe: {  	_ =	sfence.sel $0xFFFF  }
0xbf: {  	[dreg:$0x0] =	wrdreg $0xFFFFFFFF;
	(pc) =	sbr.abs _section_cstart, $3  }
0xc0: {  	[dreg:$0x1] =	wrdreg $0xFFFFFFFF  }
0xc1: {  	_ =	task.clear_ibuf [dreg:s7], $0x2FFFF;
	_ =	strace $0x9FFFFFFF  }
0xc2: {  	(tm) =	ssettm $0x7FFFFFFF  }
0xc3: {  	_ =	shalt  }
tec
execute0_lowered:
.L_overlay_start_1:
0x0: {  	(tag) =	ssettag $0x1  }
0x1: {  	s9 =	rddreg [dreg:$0x0]  }
0x2: {  	s0 =	rddreg [dreg:$0x1];
	s1 =	simm.s32 $0x0;
	s23 =	srdreg.scid  }
0x3: {  	s4 =	stileid.u32;
	s15 =	simm.s32 $0x80;
	[smem:$0x7FF] =	sst s1  }
0x4: {  	s1 =	sand.u32 $0x1, s23;
	s2 =	sshll.u32 s4, $0x1;
	s3 =	sshrl.u32 s4, $0x1  }
0x5: {  	s4 =	sshll.u32 s4, $0x15;
	s2 =	sand.u32 $0x2, s2;
	s3 =	sand.u32 $0x3, s3  }
0x6: {  	s7 =	sand.u32 $0x1000000, s4;
	_ =	strace $0x80000047;
	s2 =	sor.u32 s1, s2  }
0x7: {  	s24 =	sshll.u32 s3, $0xE;
	s1 =	ssub.s32 $0x2, s1;
	s5 =	sshll.u32 s2, $0x16  }
0x8: {  	s4 =	sor.u32 s7, s24;
	s6 =	sshrl.u32 s1, $0x1;
	s28 =	sshll.u32 s2, $0x6  }
0x9: {  	[dreg:$0x3] =	wrdreg s4;
	s8 =	sor.u32 s5, s4;
	s5 =	sadd.s32 $0x400, s0  }
0xa: {  	s25 =	ssub.s32 s1, s6;
	s30 =	sor.u32 $0x2, s28;
	[dreg:$0x4] =	wrdreg s28  }
.Ltmp0:
0xb: {  	s31 =	sor.u32 $0x3, s28;
	[dreg:$0x7] =	wrdreg s30;
	(pc) =	sbr.rel .LBB2_1-.Ltmp0, $4  }
0xc: {  	s26 =	sshrl.u32 s8, $0x3;
	[dreg:$0x8] =	wrdreg s31;
	s0 =	smax.u32 s25, $0x1  }
0xd: {  	s16 =	simm.s32 $0x400;
	s1 =	sadd.s32 s9, s26;
	[dreg:$0x9] =	wrdreg s0  }
0xe: {  	s29 =	sshll.u32 s3, $0x16;
	[dreg:$0x5] =	wrdreg s1;
	s1 =	sadd.s32 $0x2000, s1  }
0xf: {  	s2 =	simm.s32 $0x0;
	s8 =	sor.u32 s7, s29;
	[dreg:$0x6] =	wrdreg s1  }
.LBB2_12:
0x10: {  	s0 =	simm.s32 $0x3  }
0x11: {  	_ =	swait.ge [sflag:s0], $0x4000  }
0x12: {  	[sflag:s0] =	ssyncset.done $0x0  }
0x13: {  	s1 =	simm.s32 $0x4;
	[sflag:s0] =	ssyncadd.s32 $0xFFFFC000  }
0x14: {  	_ =	swait.ge [sflag:s1], $0x4000  }
0x15: {  	s2 =	rddreg [dreg:$0xa]  }
0x16: {  	s31 =	rddreg [dreg:$0x9];
	s2 =	sadd.s32 $0x1, s2  }
0x17: {  	p0 =	sne.s32 s2, s31  }
.Ltmp1:
0x18: {  	_ = 	snop;
	(pc) =	sbr.rel @!p0 .LBB2_13-.Ltmp1, $3  }
0x19: {  	_ =	sdelay $0x1  }
0x1a: {  	[sflag:s1] =	ssyncset.done $0x0  }
0x1b: {  	[sflag:s1] =	ssyncadd.s32 $0xFFFFC000  }
.LBB2_1:
0x1c: {  	[dreg:$0xa] =	wrdreg s2  }
0x1d: {  	s0 =	simm.s32 $0x0;
	s1 =	rddreg [dreg:$0x5]  }
0x1e: {  	[tilespmem:s0], [sflag:$0x1] =	stream.linear.gather [hbm4b:s1+s0], $0x4000, $0x38;
	[tilespmem:$0x10000] =	vst v63  }
0x1f: {  	s29 =	rddreg [dreg:$0x6];
	s31 =	simm.s32 $0x4000;
	s30 =	simm.s32 $0x0  }
0x20: {  	[tilespmem:s31], [sflag:$0x2] =	stream.linear.gather [hbm4b:s29+s0], $0x4000, $0x38;
	[tilespmem:$0x10000] =	vst v63  }
.LBB2_2:
0x21: {  	s0 =	simm.s32 $0x1  }
0x22: {  	s10 =	simm.s32 $0x0;
	_ =	swait.ge [sflag:s0], $0x4000  }
0x23: {  	p0 =	seq.s32 s30, $0x0;
	s1 =	sand.u32 $0x7, s10;
	[sflag:s0] =	ssyncset.done $0x0  }
0x24: {  	s1 =	sshll.u32 s1, $0x7;
	[sflag:s0] =	ssyncadd.s32 $0xFFFFC000;
	s0 =	simm.s32 @!p0 $0x3  }
0x25: {  	s20 =	sadd.s32 $0x0, s1;
	_ =	swait.ge @!p0 [sflag:s0], $0x4000  }
0x26: {  	s3 =	sadd.s32 $0x80, s20;
	[sflag:s0] =	ssyncset.done @!p0 $0x0  }
0x27: {  	s9 =	sadd.s32 $0x180, s20;
	s21 =	sor.u32 $0x460, s3;
	[sflag:s0] =	ssyncadd.s32 @!p0 $0xFFFFC000  }
0x28: {  	s22 =	sor.u32 $0x430, s9;
	v7 =	vld [tilespmem:s21+$0x0]  }
0x29: {  	s2 =	sor.u32 $0x410, s3;
	v0 =	vld [tilespmem:s22+$0x0]  }
0x2a: {  	s25 =	sor.u32 $0x410, s9;
	v11 =	vld [tilespmem:s2+$0x0]  }
0x2b: {  	s26 =	sor.u32 $0x440, s9;
	v2 =	vld [tilespmem:s25+$0x0]  }
0x2c: {  	s4 =	sor.u32 $0x400, s9;
	v4 =	vld [tilespmem:s26+$0x0]  }
0x2d: {  	s6 =	sor.u32 $0x460, s9;
	v3 =	vld [tilespmem:s4+$0x0]  }
0x2e: {  	s11 =	sor.u32 $0x470, s3;
	v8 =	vld [tilespmem:s6+$0x0]  }
0x2f: {  	s13 =	sor.u32 $0x450, s3;
	v9 =	vld [tilespmem:s11+$0x0]  }
0x30: {  	p1 =	por $0x0, $0x0;
	s1 =	simm.s32 $0x1;
	s17 =	sor.u32 $0x440, s3;
	v10 =	vld [tilespmem:s13+$0x0]  }
0x31: {  	s1 =	simm.s32 @!p1 $0x0;
	s18 =	sor.u32 $0x430, s3;
	v20 =	vld [tilespmem:s17+$0x0]  }
0x32: {  	s1 =	sshll.u32 s1, $0x9;
	s19 =	sor.u32 $0x420, s3;
	v21 =	vld [tilespmem:s18+$0x0]  }
0x33: {  	s3 =	sor.u32 $0x400, s3;
	s7 =	sadd.s32 $0x0, s1;
	v22 =	vld [tilespmem:s19+$0x0]  }
0x34: {  	s23 =	simm.s32 $0x80;
	s1 =	sor.u32 $0x430, s7;
	v23 =	vld [tilespmem:s3+$0x0]  }
0x35: {  	s0 =	sand.u32 $0x280, s23;
	s2 =	sand.u32 $0x3800, s10;
	s12 =	sor.u32 $0x410, s7;
	v1 =	vld [tilespmem:s1+$0x0]  }
0x36: {  	v6 =	vld [tilespmem:s12+$0x0];
	s0 =	sor.u32 s0, s2  }
0x37: {  	v12 =	vld [tilespmem:s0+$0x40]  }
0x38: {  	v13 =	vld [tilespmem:s0+$0x50]  }
0x39: {  	v14 =	vld [tilespmem:s0+$0x60]  }
0x3a: {  	v15 =	vld [tilespmem:s0+$0x70]  }
0x3b: {  	v16 =	vld [tilespmem:s0+$0x30]  }
0x3c: {  	v17 =	vld [tilespmem:s0+$0x20]  }
0x3d: {  	s20 =	simm.s32 $0x100;
	v18 =	vld [tilespmem:s0+$0x10]  }
0x3e: {  	s14 =	sand.u32 $0x3, s10;
	s24 =	sor.u32 $0x400, s7;
	v19 =	vld [tilespmem:s0+$0x0];
	s0 =	sand.u32 $0x300, s20  }
0x3f: {  	v5 =	vld [tilespmem:s24+$0x0];
	s1 =	sshll.u32 s14, $0x8;
	s22 =	sor.u32 s0, s2  }
0x40: {  	s1 =	sadd.s32 $0x0, s1;
	v25 =	vld [tilespmem:s22+$0x0]  }
0x41: {  	s1 =	sadd.s32 $0x100, s1;
	v26 =	vld [tilespmem:s22+$0x30]  }
0x42: {  	s21 =	sor.u32 $0x400, s1;
	v27 =	vld [tilespmem:s22+$0x40]  }
0x43: {  	s23 =	simm.s32 $0x40;
	s0 =	simm.s32 $0x0;
	s18 =	sor.u32 $0x460, s1;
	v24 =	vld [tilespmem:s21+$0x0]  }
0x44: {  	s17 =	sor.u32 $0x50, s23;
	s25 =	sor.u32 $0x450, s1;
	v28 =	vld [tilespmem:s18+$0x0];
	[tilespmem:s0+$0x8040] =	vst v19  }
0x45: {  	s24 =	sor.u32 $0x60, s23;
	s26 =	sor.u32 $0x440, s1;
	v29 =	vld [tilespmem:s25+$0x0];
	[tilespmem:s17+$0x8000] =	vst v18  }
0x46: {  	s3 =	sor.u32 $0x70, s23;
	s4 =	sor.u32 $0x430, s1;
	v30 =	vld [tilespmem:s26+$0x0];
	[tilespmem:s24+$0x8000] =	vst v17  }
0x47: {  	v31 =	vld [tilespmem:s4+$0x0];
	[tilespmem:s3+$0x8000] =	vst v16  }
0x48: {  	s10 =	sand.u32 $0x200, s10;
	s13 =	sor.u32 $0x470, s1;
	v19 =	vld [tilespmem:s22+$0x50];
	[tilespmem:s0+$0x9040] =	vst v12  }
0x49: {  	v18 =	vld [tilespmem:s13+$0x0];
	s24 =	sor.u32 s10, s2;
	[tilespmem:s0+$0x9050] =	vst v13  }
0x4a: {  	s6 =	sor.u32 $0x420, s1;
	s1 =	sor.u32 $0x410, s1;
	v17 =	vld [tilespmem:s24+$0x70];
	[tilespmem:s0+$0x9060] =	vst v14  }
0x4b: {  	v16 =	vld [tilespmem:s1+$0x0];
	[tilespmem:s0+$0x9070] =	vst v15  }
0x4c: {  	v12 =	vld [tilespmem:s6+$0x0];
	[tilespmem:s0+$0xA040] =	vst v23  }
0x4d: {  	v13 =	vld [tilespmem:s22+$0x60];
	[tilespmem:s0+$0xA050] =	vst v11  }
0x4e: {  	v14 =	vld [tilespmem:s22+$0x20];
	[tilespmem:s0+$0xA060] =	vst v22  }
0x4f: {  	v11 =	vld [tilespmem:s22+$0x10];
	[tilespmem:s0+$0xA070] =	vst v21  }
0x50: {  	s11 =	sor.u32 $0x470, s7;
	v22 =	vld [tilespmem:s22+$0x70];
	[tilespmem:s0+$0xB040] =	vst v20  }
0x51: {  	v15 =	vld [tilespmem:s11+$0x0];
	[tilespmem:s0+$0x8080] =	vst v25  }
0x52: {  	v23 =	vld [tilespmem:s24+$0x0];
	[tilespmem:s0+$0x80B0] =	vst v26  }
0x53: {  	s12 =	simm.s32 $0x180;
	v20 =	vld [tilespmem:s24+$0x20];
	[tilespmem:s0+$0x9080] =	vst v27  }
0x54: {  	s20 =	sor.u32 $0x460, s7;
	s1 =	sand.u32 $0x380, s12;
	v21 =	vld [tilespmem:s24+$0x10];
	[tilespmem:s0+$0xA080] =	vst v24  }
0x55: {  	s1 =	sor.u32 s1, s2;
	[tilespmem:s0+$0xA0B0] =	vst v31;
	v24 =	vld [tilespmem:s20+$0x0]  }
0x56: {  	[tilespmem:s0+$0xB080] =	vst v30;
	v26 =	vld [tilespmem:s1+$0x10]  }
0x57: {  	[tilespmem:s0+$0x9090] =	vst v19;
	v25 =	vld [tilespmem:s1+$0x0]  }
0x58: {  	v63 =	vld [tilespmem:s1+$0x30];
	[tilespmem:s0+$0xA090] =	vst v16  }
0x59: {  	s18 =	sor.u32 $0x420, s9;
	v27 =	vld [tilespmem:s1+$0x20];
	[tilespmem:s0+$0x80A0] =	vst v14  }
0x5a: {  	s13 =	sor.u32 $0x450, s9;
	v19 =	vld [tilespmem:s18+$0x0];
	[tilespmem:s0+$0x8090] =	vst v11  }
0x5b: {  	v16 =	vld [tilespmem:s13+$0x0];
	[tilespmem:s0+$0x90A0] =	vst v13  }
0x5c: {  	v11 =	vld [tilespmem:s1+$0x50];
	[tilespmem:s0+$0xA0A0] =	vst v12  }
0x5d: {  	v13 =	vld [tilespmem:s1+$0x70];
	[tilespmem:s0+$0x90B0] =	vst v22  }
0x5e: {  	s31 =	sshll.u32 s30, $0x1;
	s28 =	simm.s32 $0x400;
	v14 =	vld [tilespmem:s1+$0x60];
	s17 =	rddreg [dreg:$0x4];
	[tilespmem:s0+$0xB090] =	vst v29  }
0x5f: {  	s29 =	simm.s32 $0x4;
	s19 =	simm.s32 $0xC0;
	s14 =	sor.u32 $0x470, s9;
	v12 =	vld [tilespmem:s1+$0x40];
	[tilespmem:s0+$0xB0A0] =	vst v28  }
0x60: {  	p1 =	por !p1, !p1;
	s23 =	sor.u32 $0x50, s19;
	s22 =	sor.u32 $0x450, s7;
	v22 =	vld [tilespmem:s14+$0x0];
	[tilespmem:s0+$0x80C0] =	vst v25  }
0x61: {  	s21 =	sor.u32 $0x60, s19;
	s25 =	sor.u32 $0x440, s7;
	s26 =	sor.u32 $0x420, s7;
	v25 =	vld [tilespmem:s22+$0x0];
	[tilespmem:s23+$0x8000] =	vst v26  }
0x62: {  	s9 =	simm.s32 $0x0;
	s10 =	simm.s32 $0x200;
	s3 =	sor.u32 $0x70, s19;
	v26 =	vld [tilespmem:s25+$0x0];
	[tilespmem:s21+$0x8000] =	vst v27  }
0x63: {  	s12 =	simm.s32 $0x2;
	s7 =	simm.s32 $0x1C0;
	s2 =	sadd.s32 s17, s31;
	v27 =	vld [tilespmem:s26+$0x0];
	[tilespmem:s3+$0x8000] =	vst v63  }
.LBB2_3:
0x64: {  	s1 =	sand.u32 $0x7, s29  }
0x65: {  	s3 =	sadd.s32 $0x80, s10;
	s13 =	sadd.s32 $0x180, s10;
	v28 =	vld [tilespmem:s24+$0x60];
	[tilespmem:s0+$0xB0B0] =	vst v18;
	s20 =	sand.u32 $0x3800, s28  }
0x66: {  	s1 =	sshll.u32 s1, $0x7;
	s25 =	sand.u32 $0x280, s3;
	s19 =	sand.u32 $0x380, s13;
	v18 =	vld [tilespmem:s24+$0x50];
	[tilespmem:s0+$0xB050] =	vst v10  }
0x67: {  	s9 =	sadd.s32 $0x4, s9;
	s3 =	simm.s32 $0x1;
	s1 =	sadd.s32 s28, s1;
	v10 =	vld [tilespmem:s24+$0x40];
	[tilespmem:s0+$0xB060] =	vst v7  }
0x68: {  	s3 =	simm.s32 @!p1 $0x0;
	s26 =	sadd.s32 $0x180, s1;
	s1 =	sadd.s32 $0x80, s1;
	v29 =	vld [tilespmem:s24+$0x30];
	[tilespmem:s0+$0xB070] =	vst v9  }
0x69: {  	s11 =	sor.u32 $0x410, s1;
	s13 =	sor.u32 $0x420, s26;
	s17 =	sor.u32 $0x470, s26;
	[tilespmem:s0+$0x8000] =	vst v23  }
0x6a: {  	s18 =	sor.u32 $0x460, s1;
	s6 =	sor.u32 $0x400, s26;
	s23 =	sor.u32 $0x450, s26;
	[tilespmem:s0+$0x9020] =	vst v28  }
0x6b: {  	s24 =	sor.u32 $0x420, s1;
	s22 =	sor.u32 $0x430, s26;
	s4 =	sor.u32 $0x440, s26;
	v7 =	vld [tilespmem:s18+$0x0];
	[tilespmem:s0+$0x9010] =	vst v18  }
0x6c: {  	p2 =	slt.u32 s9, $0x3C;
	s18 =	sshll.u32 s3, $0x9;
	s3 =	sor.u32 $0x400, s1;
	[tilespmem:s0+$0x9000] =	vst v10  }
0x6d: {  	s18 =	sadd.s32 s18, s28;
	v18 =	vld [tilespmem:s22+$0x0];
	[tilespmem:s0+$0x8030] =	vst v29  }
0x6e: {  	s22 =	sor.u32 $0x400, s18;
	s14 =	sor.u32 $0x430, s18;
	v23 =	vld [tilespmem:s11+$0x0];
	s11 =	sor.u32 $0x410, s26;
	[tilespmem:s0+$0x8010] =	vst v21  }
0x6f: {  	s21 =	sor.u32 $0x410, s18;
	v9 =	vld [tilespmem:s14+$0x0];
	[tilespmem:s0+$0x8020] =	vst v20  }
0x70: {  	s14 =	sor.u32 s25, s20;
	v10 =	vld [tilespmem:s21+$0x0];
	[tilespmem:s0+$0x9030] =	vst v17  }
0x71: {  	v17 =	vld [tilespmem:s14+$0x40];
	[tilespmem:s0+$0xA000] =	vst v5  }
0x72: {  	v5 =	vld [tilespmem:s22+$0x0];
	[tilespmem:s0+$0xA010] =	vst v6  }
0x73: {  	v20 =	vld [tilespmem:s14+$0x50];
	[tilespmem:s0+$0xA020] =	vst v27  }
0x74: {  	s21 =	sor.u32 $0x460, s26;
	v21 =	vld [tilespmem:s14+$0x60];
	[tilespmem:s0+$0xA030] =	vst v1;
	v1 =	vmov v9  }
0x75: {  	v27 =	vld [tilespmem:s14+$0x70];
	[tilespmem:s0+$0xB000] =	vst v26;
	v6 =	vmov v10  }
0x76: {  	v26 =	vld [tilespmem:s11+$0x0];
	[tilespmem:s0+$0xB010] =	vst v25  }
0x77: {  	v25 =	vld [tilespmem:s4+$0x0];
	[tilespmem:s0+$0xB020] =	vst v24  }
0x78: {  	v24 =	vld [tilespmem:s6+$0x0];
	[tilespmem:s0+$0xB030] =	vst v15  }
0x79: {  	s26 =	sor.u32 $0x60, s7;
	v15 =	vld [tilespmem:s14+$0x30]  }
0x7a: {  	s25 =	sor.u32 $0x70, s7;
	s4 =	sor.u32 $0x470, s1;
	v28 =	vld [tilespmem:s14+$0x20]  }
0x7b: {  	v29 =	vld [tilespmem:s14+$0x10]  }
0x7c: {  	s6 =	sor.u32 $0x450, s1;
	v30 =	vld [tilespmem:s21+$0x0];
	[tilespmem:s0+$0xB0F0] =	vst v22  }
0x7d: {  	v9 =	vld [tilespmem:s4+$0x0];
	[tilespmem:s0+$0xB0E0] =	vst v8  }
0x7e: {  	v10 =	vld [tilespmem:s6+$0x0];
	[tilespmem:s0+$0xB0D0] =	vst v16  }
0x7f: {  	s4 =	sand.u32 $0x3, s12;
	s6 =	sor.u32 $0x440, s1;
	v16 =	vld [tilespmem:s14+$0x0];
	[tilespmem:s0+$0xB0C0] =	vst v4;
	v4 =	vmov v25  }
0x80: {  	s4 =	sshll.u32 s4, $0x8;
	s1 =	sor.u32 $0x430, s1;
	v22 =	vld [tilespmem:s6+$0x0];
	[tilespmem:s0+$0xA0F0] =	vst v0;
	v0 =	vmov v18  }
0x81: {  	s4 =	sadd.s32 s28, s4;
	v25 =	vld [tilespmem:s1+$0x0];
	[tilespmem:s0+$0xA0E0] =	vst v19;
	v8 =	vmov v30  }
0x82: {  	s4 =	sadd.s32 $0x100, s4;
	s1 =	sadd.s32 $0x100, s10;
	v19 =	vld [tilespmem:s24+$0x0];
	[tilespmem:s0+$0xA0D0] =	vst v2;
	v2 =	vmov v26  }
0x83: {  	s1 =	sand.u32 $0x300, s1;
	v26 =	vld [tilespmem:s3+$0x0];
	s3 =	sor.u32 $0x400, s4;
	[tilespmem:s0+$0xA0C0] =	vst v3;
	v3 =	vmov v24  }
0x84: {  	s1 =	sor.u32 s1, s20;
	v24 =	vld [tilespmem:s3+$0x0];
	[tilespmem:s0+$0x90F0] =	vst v13  }
0x85: {  	v13 =	vld [tilespmem:s1+$0x0];
	[tilespmem:s0+$0x90E0] =	vst v14  }
0x86: {  	v14 =	vld [tilespmem:s1+$0x30];
	[tilespmem:s0+$0x90D0] =	vst v11  }
0x87: {  	s6 =	sor.u32 $0x470, s4;
	s3 =	sadd.s32 $0xFFFFFF80, s7;
	v30 =	vld [tilespmem:s1+$0x40];
	[tilespmem:s0+$0x90C0] =	vst v12;
	s0 =	sshra.s32 s28, $0x2  }
0x88: {  	s14 =	sor.u32 $0x460, s4;
	s11 =	sor.u32 $0x50, s3;
	[tilespmem:s0+$0x8040] =	vst v16;
	v12 =	vld [tilespmem:s1+$0x50]  }
0x89: {  	s21 =	sor.u32 $0x450, s4;
	[tilespmem:s11+$0x8000] =	vst v29;
	s11 =	sor.u32 $0x60, s3;
	v18 =	vld [tilespmem:s6+$0x0]  }
0x8a: {  	s3 =	sor.u32 $0x70, s3;
	s6 =	sor.u32 $0x440, s4;
	[tilespmem:s11+$0x8000] =	vst v28;
	v28 =	vld [tilespmem:s14+$0x0]  }
0x8b: {  	[tilespmem:s3+$0x8000] =	vst v15;
	s3 =	sor.u32 $0x430, s4;
	v29 =	vld [tilespmem:s21+$0x0]  }
0x8c: {  	s11 =	sor.u32 $0x420, s4;
	[tilespmem:s0+$0x9040] =	vst v17;
	v31 =	vld [tilespmem:s6+$0x0]  }
0x8d: {  	s4 =	sor.u32 $0x410, s4;
	[tilespmem:s0+$0x9050] =	vst v20;
	v32 =	vld [tilespmem:s3+$0x0]  }
0x8e: {  	[tilespmem:s0+$0x9060] =	vst v21;
	v33 =	vld [tilespmem:s11+$0x0]  }
0x8f: {  	[tilespmem:s0+$0x9070] =	vst v27;
	v11 =	vld [tilespmem:s1+$0x60]  }
0x90: {  	s3 =	sand.u32 $0x200, s10;
	[tilespmem:s0+$0xA040] =	vst v26;
	v16 =	vld [tilespmem:s1+$0x20]  }
0x91: {  	s24 =	sor.u32 s3, s20;
	[tilespmem:s0+$0xA050] =	vst v23;
	v20 =	vld [tilespmem:s1+$0x10]  }
0x92: {  	v17 =	vld [tilespmem:s24+$0x70];
	[tilespmem:s0+$0xA060] =	vst v19  }
0x93: {  	[tilespmem:s0+$0xA070] =	vst v25;
	v19 =	vld [tilespmem:s1+$0x70]  }
0x94: {  	s1 =	sor.u32 $0x470, s18;
	[tilespmem:s0+$0xB040] =	vst v22;
	v22 =	vld [tilespmem:s4+$0x0]  }
0x95: {  	v15 =	vld [tilespmem:s1+$0x0];
	[tilespmem:s0+$0x80A0] =	vst v16  }
0x96: {  	v23 =	vld [tilespmem:s24+$0x0];
	[tilespmem:s0+$0x8090] =	vst v20  }
0x97: {  	v20 =	vld [tilespmem:s24+$0x20];
	[tilespmem:s0+$0x90A0] =	vst v11  }
0x98: {  	s1 =	sor.u32 s19, s20;
	v21 =	vld [tilespmem:s24+$0x10];
	[tilespmem:s0+$0x8080] =	vst v13  }
0x99: {  	[tilespmem:s0+$0xA090] =	vst v22;
	v11 =	vld [tilespmem:s1+$0x50]  }
0x9a: {  	[tilespmem:s0+$0x80B0] =	vst v14;
	v16 =	vld [tilespmem:s23+$0x0]  }
0x9b: {  	[tilespmem:s0+$0xA0A0] =	vst v33;
	v13 =	vld [tilespmem:s1+$0x70]  }
0x9c: {  	[tilespmem:s0+$0x9080] =	vst v30;
	v14 =	vld [tilespmem:s1+$0x60]  }
0x9d: {  	[tilespmem:s0+$0x9090] =	vst v12;
	v12 =	vld [tilespmem:s1+$0x40]  }
0x9e: {  	[tilespmem:s0+$0x90B0] =	vst v19;
	v26 =	vld [tilespmem:s1+$0x10]  }
0x9f: {  	[tilespmem:s0+$0xA080] =	vst v24;
	v25 =	vld [tilespmem:s1+$0x0]  }
0xa0: {  	[tilespmem:s0+$0xA0B0] =	vst v32;
	v30 =	vld [tilespmem:s1+$0x30]  }
0xa1: {  	[tilespmem:s0+$0xB080] =	vst v31;
	v27 =	vld [tilespmem:s1+$0x20]  }
0xa2: {  	[tilespmem:s0+$0xB090] =	vst v29;
	v22 =	vld [tilespmem:s17+$0x0]  }
.Ltmp2:
0xa3: {  	s1 =	sor.u32 $0x460, s18;
	[tilespmem:s0+$0xB0A0] =	vst v28;
	v19 =	vld [tilespmem:s13+$0x0];
	(pc) =	sbr.rel @p2 .LBB2_3-.Ltmp2, $4  }
0xa4: {  	s3 =	sor.u32 $0x450, s18;
	v24 =	vld [tilespmem:s1+$0x0];
	[tilespmem:s0+$0x80C0] =	vst v25;
	s1 =	sor.u32 $0x50, s7  }
0xa5: {  	s12 =	sadd.s32 $0x2, s12;
	s4 =	sor.u32 $0x440, s18;
	v25 =	vld [tilespmem:s3+$0x0];
	[tilespmem:s1+$0x8000] =	vst v26  }
0xa6: {  	s28 =	sadd.s32 $0x400, s28;
	s7 =	sadd.s32 $0x100, s7;
	s1 =	sor.u32 $0x420, s18;
	v26 =	vld [tilespmem:s4+$0x0];
	[tilespmem:s26+$0x8000] =	vst v27  }
0xa7: {  	s29 =	sadd.s32 $0x4, s29;
	p1 =	por !p1, !p1;
	s10 =	sadd.s32 $0x200, s10;
	v27 =	vld [tilespmem:s1+$0x0];
	[tilespmem:s25+$0x8000] =	vst v30  }
0xa8: {  	[tilespmem:s0+$0xB0B0] =	vst v18  }
0xa9: {  	v28 =	vld [tilespmem:s24+$0x60];
	[tilespmem:s0+$0xB050] =	vst v10  }
0xaa: {  	v61 =	vld [tilespmem:s24+$0x50];
	[tilespmem:s0+$0xB060] =	vst v7  }
0xab: {  	v62 =	vld [tilespmem:s24+$0x40];
	[tilespmem:s0+$0xB070] =	vst v9  }
0xac: {  	v63 =	vld [tilespmem:s24+$0x30];
	[tilespmem:s0+$0x8000] =	vst v23  }
0xad: {  	[tilespmem:s0+$0x8010] =	vst v21  }
0xae: {  	[tilespmem:s0+$0x8020] =	vst v20  }
0xaf: {  	[tilespmem:s0+$0x9030] =	vst v17  }
0xb0: {  	[tilespmem:s0+$0xA000] =	vst v5  }
0xb1: {  	[tilespmem:s0+$0xA010] =	vst v6  }
0xb2: {  	[tilespmem:s0+$0xA030] =	vst v1  }
0xb3: {  	[tilespmem:s0+$0xB030] =	vst v15  }
0xb4: {  	[tilespmem:s0+$0xB0F0] =	vst v22  }
0xb5: {  	[tilespmem:s0+$0xB0E0] =	vst v8  }
0xb6: {  	[tilespmem:s0+$0xB0D0] =	vst v16  }
0xb7: {  	[tilespmem:s0+$0xB0C0] =	vst v4  }
0xb8: {  	[tilespmem:s0+$0xA0F0] =	vst v0  }
0xb9: {  	[tilespmem:s0+$0xA0E0] =	vst v19  }
0xba: {  	[tilespmem:s0+$0xA0D0] =	vst v2  }
0xbb: {  	[tilespmem:s0+$0xA0C0] =	vst v3  }
0xbc: {  	[tilespmem:s0+$0x90F0] =	vst v13  }
0xbd: {  	[tilespmem:s0+$0x90E0] =	vst v14  }
0xbe: {  	[tilespmem:s0+$0x90D0] =	vst v11  }
0xbf: {  	[tilespmem:s0+$0x90C0] =	vst v12  }
0xc0: {  	[tilespmem:s0+$0xB020] =	vst v24  }
0xc1: {  	[tilespmem:s0+$0xB010] =	vst v25  }
0xc2: {  	s1 =	sshll.u32 s30, $0x8;
	s3 =	sshll.u32 s2, $0xC;
	[tilespmem:s0+$0xB000] =	vst v26  }
0xc3: {  	s2 =	sand.u32 $0x300, s1;
	s7 =	sand.u32 $0xF8000, s3;
	[tilespmem:s0+$0xA020] =	vst v27  }
0xc4: {  	s1 =	sor.u32 s2, s7;
	[tilespmem:s0+$0x9020] =	vst v28  }
0xc5: {  	s1 =	sor.u32 s8, s1;
	[tilespmem:s0+$0x9010] =	vst v61  }
0xc6: {  	s1 =	sshrl.u32 s1, $0x3;
	[tilespmem:s0+$0x9000] =	vst v62  }
0xc7: {  	s23 =	simm.s32 $0x8000;
	[tilespmem:s0+$0x8030] =	vst v63;
	s22 =	sadd.s32 s5, s1  }
0xc8: {  	[hbm4b:s22+s15] =	stream.strided.scatter [tilespmem:s23], [sflag:$0x3], $0x1000, s16, s15, $0x38;
	[tilespmem:$0x10000] =	vst v63  }
0xc9: {  	s25 =	simm.s32 $0x9000;
	p1 =	sne.s32 s30, $0x1F;
	s24 =	sadd.s32 $0x20000, s22  }
0xca: {  	[hbm4b:s24+s15] =	stream.strided.scatter [tilespmem:s25], [sflag:$0x3], $0x1000, s16, s15, $0x38;
	[tilespmem:$0x10000] =	vst v63  }
.Ltmp3:
0xcb: {  	_ = 	snop;
	(pc) =	sbr.rel @p1 .LBB2_6-.Ltmp3, $4  }
0xcc: {  	s28 =	simm.s32 $0xA000;
	s26 =	sadd.s32 $0x40000, s22  }
0xcd: {  	[hbm4b:s26+s15] =	stream.strided.scatter [tilespmem:s28], [sflag:$0x3], $0x1000, s16, s15, $0x38;
	[tilespmem:$0x10000] =	vst v63  }
0xce: {  	s29 =	simm.s32 $0xB000;
	s0 =	sadd.s32 $0x60000, s22  }
0xcf: {  	[hbm4b:s0+s15] =	stream.strided.scatter [tilespmem:s29], [sflag:$0x3], $0x1000, s16, s15, $0x38;
	[tilespmem:$0x10000] =	vst v63  }
.Ltmp4:
0xd0: {  	(pc) =	sbr.rel .LBB2_7-.Ltmp4, $4  }
0xd1: {  	s0 =	simm.s32 $0x2  }
0xd2: {  	_ =	swait.ge [sflag:s0], $0x4000  }
0xd3: {  	[sflag:s0] =	ssyncset.done $0x0  }
0xd4: {  	[sflag:s0] =	ssyncadd.s32 $0xFFFFC000  }
.LBB2_6:
0xd5: {  	s0 =	rddreg [dreg:$0x7]  }
0xd6: {  	s0 =	sadd.s32 s31, s0  }
0xd7: {  	s1 =	rddreg [dreg:$0x3];
	s0 =	sshll.u32 s0, $0x10  }
0xd8: {  	s0 =	sadd.s32 s1, s0  }
0xd9: {  	s26 =	rddreg [dreg:$0x0];
	s28 =	simm.s32 $0x0;
	s0 =	sshrl.u32 s0, $0x3  }
.Ltmp5:
0xda: {  	s29 =	simm.s32 $0x2;
	s0 =	sadd.s32 s26, s0;
	(pc) =	sbr.rel @p0 .LBB2_8-.Ltmp5, $4  }
0xdb: {  	[tilespmem:s28], [sflag:$0x1] =	stream.linear.gather [hbm4b:s0+s28], $0x4000, $0x38;
	[tilespmem:$0x10000] =	vst v63  }
0xdc: {  	_ =	swait.ge [sflag:s29], $0x4000  }
0xdd: {  	[sflag:s29] =	ssyncset.done $0x0  }
0xde: {  	[sflag:s29] =	ssyncadd.s32 $0xFFFFC000  }
.LBB2_7:
0xdf: {  	s0 =	simm.s32 $0x4  }
0xe0: {  	_ =	swait.ge [sflag:s0], $0x4000  }
0xe1: {  	[sflag:s0] =	ssyncset.done $0x0  }
0xe2: {  	[sflag:s0] =	ssyncadd.s32 $0xFFFFC000  }
.LBB2_8:
0xe3: {  	s0 =	simm.s32 $0xFFFFFFFC  }
0xe4: {  	s9 =	simm.s32 $0xC0;
	p0 =	por $0x0, $0x0;
	s10 =	simm.s32 $0x0  }
0xe5: {  	s12 =	simm.s32 $0x0;
	s13 =	simm.s32 $0x0;
	s17 =	simm.s32 $0x0  }
.LBB2_9:
0xe6: {  	s1 =	sand.u32 $0x3800, s17  }
0xe7: {  	s3 =	sand.u32 $0x200, s10;
	s19 =	sor.u32 $0x4000, s1  }
0xe8: {  	s1 =	sor.u32 s3, s19  }
0xe9: {  	v0 =	vld [tilespmem:s1+$0x0]  }
0xea: {  	v1 =	vld [tilespmem:s1+$0x10]  }
0xeb: {  	v2 =	vld [tilespmem:s1+$0x20]  }
0xec: {  	v3 =	vld [tilespmem:s1+$0x30]  }
0xed: {  	v4 =	vld [tilespmem:s1+$0x40]  }
0xee: {  	s4 =	sadd.s32 $0x80, s10;
	v5 =	vld [tilespmem:s1+$0x50]  }
0xef: {  	s26 =	sand.u32 $0x280, s4;
	v6 =	vld [tilespmem:s1+$0x60]  }
0xf0: {  	s28 =	sor.u32 s26, s19;
	v7 =	vld [tilespmem:s1+$0x70]  }
0xf1: {  	v62 =	vld [tilespmem:s28+$0x0]  }
0xf2: {  	v63 =	vld [tilespmem:s28+$0x10]  }
0xf3: {  	v18 =	vld [tilespmem:s28+$0x20]  }
0xf4: {  	s3 =	simm.s32 $0x1;
	v19 =	vld [tilespmem:s28+$0x30]  }
0xf5: {  	s3 =	simm.s32 @!p0 $0x0;
	v20 =	vld [tilespmem:s28+$0x40]  }
0xf6: {  	v21 =	vld [tilespmem:s28+$0x50];
	s3 =	sshll.u32 s3, $0x9  }
0xf7: {  	v22 =	vld [tilespmem:s28+$0x60];
	s3 =	sadd.s32 s3, s17  }
0xf8: {  	v23 =	vld [tilespmem:s28+$0x70];
	s14 =	sor.u32 $0x400, s3  }
0xf9: {  	s18 =	sor.u32 $0x410, s3;
	v8 =	vld [tilespmem:s14+$0x4000]  }
0xfa: {  	s20 =	sor.u32 $0x420, s3;
	v9 =	vld [tilespmem:s18+$0x4000]  }
0xfb: {  	s21 =	sor.u32 $0x430, s3;
	v10 =	vld [tilespmem:s20+$0x4000]  }
0xfc: {  	s29 =	sand.u32 $0x7, s13;
	s22 =	sor.u32 $0x440, s3;
	s23 =	sor.u32 $0x450, s3;
	v11 =	vld [tilespmem:s21+$0x4000]  }
0xfd: {  	s24 =	sor.u32 $0x460, s3;
	s25 =	sor.u32 $0x470, s3;
	s3 =	sshll.u32 s29, $0x7;
	v12 =	vld [tilespmem:s22+$0x4000]  }
0xfe: {  	v13 =	vld [tilespmem:s23+$0x4000];
	s20 =	sadd.s32 s17, s3  }
0xff: {  	v14 =	vld [tilespmem:s24+$0x4000];
	s18 =	sshra.s32 s17, $0x2;
	s3 =	sadd.s32 $0x80, s20  }
0x100: {  	v15 =	vld [tilespmem:s25+$0x4000];
	[tilespmem:s18+$0xC000] =	vst v0;
	s4 =	sor.u32 $0x400, s3  }
0x101: {  	[tilespmem:s18+$0xC010] =	vst v1;
	s6 =	sor.u32 $0x410, s3;
	v24 =	vld [tilespmem:s4+$0x4000]  }
0x102: {  	[tilespmem:s18+$0xC020] =	vst v2;
	s11 =	sor.u32 $0x420, s3;
	v25 =	vld [tilespmem:s6+$0x4000]  }
0x103: {  	[tilespmem:s18+$0xC030] =	vst v3;
	s14 =	sor.u32 $0x430, s3;
	v26 =	vld [tilespmem:s11+$0x4000]  }
0x104: {  	[tilespmem:s18+$0xD000] =	vst v4;
	s21 =	sor.u32 $0x440, s3;
	v27 =	vld [tilespmem:s14+$0x4000]  }
0x105: {  	[tilespmem:s18+$0xD010] =	vst v5;
	s22 =	sor.u32 $0x450, s3;
	v28 =	vld [tilespmem:s21+$0x4000]  }
0x106: {  	s24 =	sadd.s32 $0x100, s10;
	[tilespmem:s18+$0xD020] =	vst v6;
	s23 =	sor.u32 $0x460, s3;
	v29 =	vld [tilespmem:s22+$0x4000]  }
0x107: {  	s28 =	sadd.s32 $0xFFFFFF80, s9;
	[tilespmem:s18+$0xD030] =	vst v7;
	s26 =	sand.u32 $0x300, s24;
	s25 =	sor.u32 $0x470, s3;
	v30 =	vld [tilespmem:s23+$0x4000]  }
0x108: {  	s29 =	sor.u32 $0x50, s28;
	s3 =	sor.u32 s26, s19;
	v31 =	vld [tilespmem:s25+$0x4000];
	[tilespmem:s18+$0xC040] =	vst v62  }
0x109: {  	v32 =	vld [tilespmem:s3+$0x0];
	[tilespmem:s29+$0xC000] =	vst v63  }
0x10a: {  	v33 =	vld [tilespmem:s3+$0x10];
	[tilespmem:s18+$0xE000] =	vst v8  }
0x10b: {  	v34 =	vld [tilespmem:s3+$0x20];
	[tilespmem:s18+$0xE010] =	vst v9  }
0x10c: {  	v35 =	vld [tilespmem:s3+$0x30];
	[tilespmem:s18+$0xE020] =	vst v10  }
0x10d: {  	v36 =	vld [tilespmem:s3+$0x40];
	[tilespmem:s18+$0xE030] =	vst v11  }
0x10e: {  	s11 =	sand.u32 $0x3, s12;
	v37 =	vld [tilespmem:s3+$0x50];
	[tilespmem:s18+$0xF000] =	vst v12  }
0x10f: {  	v38 =	vld [tilespmem:s3+$0x60];
	s14 =	sshll.u32 s11, $0x8;
	s29 =	sadd.s32 $0x180, s10;
	s11 =	sadd.s32 $0x180, s20;
	[tilespmem:s18+$0xF010] =	vst v13  }
0x110: {  	s6 =	sor.u32 $0x60, s28;
	v39 =	vld [tilespmem:s3+$0x70];
	[tilespmem:s18+$0xF020] =	vst v14;
	s4 =	sand.u32 $0x380, s29;
	s20 =	sor.u32 $0x420, s11  }
0x111: {  	[tilespmem:s6+$0xC000] =	vst v18;
	s6 =	sor.u32 s4, s19;
	v58 =	vld [tilespmem:s20+$0x4000]  }
0x112: {  	s1 =	sor.u32 $0x70, s28;
	[tilespmem:s18+$0xF030] =	vst v15;
	v48 =	vld [tilespmem:s6+$0x0]  }
0x113: {  	[tilespmem:s1+$0xC000] =	vst v19;
	v49 =	vld [tilespmem:s6+$0x10]  }
0x114: {  	[tilespmem:s18+$0xD040] =	vst v20;
	v50 =	vld [tilespmem:s6+$0x20]  }
0x115: {  	[tilespmem:s18+$0xD050] =	vst v21;
	v51 =	vld [tilespmem:s6+$0x30]  }
0x116: {  	s1 =	sadd.s32 s17, s14;
	[tilespmem:s18+$0xD060] =	vst v22;
	v52 =	vld [tilespmem:s6+$0x40]  }
0x117: {  	s1 =	sadd.s32 $0x100, s1;
	[tilespmem:s18+$0xD070] =	vst v23;
	v53 =	vld [tilespmem:s6+$0x50]  }
0x118: {  	v54 =	vld [tilespmem:s6+$0x60];
	s21 =	sor.u32 $0x400, s1;
	[tilespmem:s18+$0xE040] =	vst v24  }
0x119: {  	s22 =	sor.u32 $0x410, s1;
	[tilespmem:s18+$0xE050] =	vst v25;
	v40 =	vld [tilespmem:s21+$0x4000]  }
0x11a: {  	s23 =	sor.u32 $0x420, s1;
	[tilespmem:s18+$0xE060] =	vst v26;
	v41 =	vld [tilespmem:s22+$0x4000]  }
0x11b: {  	s24 =	sor.u32 $0x430, s1;
	[tilespmem:s18+$0xE070] =	vst v27;
	v42 =	vld [tilespmem:s23+$0x4000]  }
0x11c: {  	s25 =	sor.u32 $0x440, s1;
	[tilespmem:s18+$0xF040] =	vst v28;
	v43 =	vld [tilespmem:s24+$0x4000]  }
0x11d: {  	s26 =	sor.u32 $0x450, s1;
	[tilespmem:s18+$0xF050] =	vst v29;
	v44 =	vld [tilespmem:s25+$0x4000]  }
0x11e: {  	s28 =	sor.u32 $0x460, s1;
	[tilespmem:s18+$0xF060] =	vst v30;
	v45 =	vld [tilespmem:s26+$0x4000]  }
0x11f: {  	s1 =	sor.u32 $0x470, s1;
	[tilespmem:s18+$0xF070] =	vst v31;
	v46 =	vld [tilespmem:s28+$0x4000]  }
0x120: {  	v47 =	vld [tilespmem:s1+$0x4000];
	[tilespmem:s18+$0xC080] =	vst v32  }
0x121: {  	s14 =	sor.u32 $0x400, s11;
	v55 =	vld [tilespmem:s6+$0x70];
	[tilespmem:s18+$0xC090] =	vst v33  }
0x122: {  	s19 =	sor.u32 $0x410, s11;
	v56 =	vld [tilespmem:s14+$0x4000];
	[tilespmem:s18+$0xC0A0] =	vst v34  }
0x123: {  	v57 =	vld [tilespmem:s19+$0x4000];
	[tilespmem:s18+$0xC0B0] =	vst v35;
	s21 =	sor.u32 $0x430, s11  }
0x124: {  	[tilespmem:s18+$0xD080] =	vst v36;
	s22 =	sor.u32 $0x440, s11;
	v59 =	vld [tilespmem:s21+$0x4000]  }
0x125: {  	[tilespmem:s18+$0xD090] =	vst v37;
	s23 =	sor.u32 $0x450, s11;
	v60 =	vld [tilespmem:s22+$0x4000]  }
0x126: {  	[tilespmem:s18+$0xD0A0] =	vst v38;
	s24 =	sor.u32 $0x460, s11;
	v61 =	vld [tilespmem:s23+$0x4000]  }
0x127: {  	[tilespmem:s18+$0xD0B0] =	vst v39;
	s25 =	sor.u32 $0x470, s11;
	v62 =	vld [tilespmem:s24+$0x4000]  }
0x128: {  	s26 =	sor.u32 $0x50, s9;
	v63 =	vld [tilespmem:s25+$0x4000];
	[tilespmem:s18+$0xC0C0] =	vst v48  }
0x129: {  	[tilespmem:s26+$0xC000] =	vst v49  }
0x12a: {  	[tilespmem:s18+$0xE080] =	vst v40  }
0x12b: {  	[tilespmem:s18+$0xE090] =	vst v41  }
0x12c: {  	[tilespmem:s18+$0xE0A0] =	vst v42  }
0x12d: {  	[tilespmem:s18+$0xE0B0] =	vst v43  }
0x12e: {  	[tilespmem:s18+$0xF080] =	vst v44  }
0x12f: {  	[tilespmem:s18+$0xF090] =	vst v45  }
0x130: {  	[tilespmem:s18+$0xF0A0] =	vst v46  }
0x131: {  	s28 =	sor.u32 $0x60, s9;
	[tilespmem:s18+$0xF0B0] =	vst v47  }
0x132: {  	s29 =	sor.u32 $0x70, s9;
	[tilespmem:s28+$0xC000] =	vst v50  }
0x133: {  	[tilespmem:s29+$0xC000] =	vst v51  }
0x134: {  	[tilespmem:s18+$0xD0C0] =	vst v52  }
0x135: {  	[tilespmem:s18+$0xD0D0] =	vst v53  }
0x136: {  	[tilespmem:s18+$0xD0E0] =	vst v54  }
0x137: {  	[tilespmem:s18+$0xD0F0] =	vst v55  }
0x138: {  	[tilespmem:s18+$0xE0C0] =	vst v56  }
0x139: {  	s0 =	sadd.s32 $0x4, s0;
	[tilespmem:s18+$0xE0D0] =	vst v57  }
0x13a: {  	p1 =	slt.u32 s0, $0x3C;
	[tilespmem:s18+$0xE0E0] =	vst v58  }
.Ltmp6:
0x13b: {  	[tilespmem:s18+$0xE0F0] =	vst v59;
	(pc) =	sbr.rel @p1 .LBB2_9-.Ltmp6, $4  }
0x13c: {  	[tilespmem:s18+$0xF0C0] =	vst v60  }
0x13d: {  	[tilespmem:s18+$0xF0D0] =	vst v61  }
0x13e: {  	s13 =	sadd.s32 $0x4, s13;
	p0 =	por !p0, !p0;
	s12 =	sadd.s32 $0x2, s12;
	[tilespmem:s18+$0xF0E0] =	vst v62  }
0x13f: {  	s10 =	sadd.s32 $0x200, s10;
	s17 =	sadd.s32 $0x400, s17;
	s9 =	sadd.s32 $0x100, s9;
	[tilespmem:s18+$0xF0F0] =	vst v63  }
0x140: {  	s0 =	sor.u32 s2, s8  }
0x141: {  	s0 =	sor.u32 s7, s0  }
0x142: {  	s0 =	sshrl.u32 s0, $0x3  }
0x143: {  	s0 =	sadd.s32 s0, s5  }
0x144: {  	s23 =	simm.s32 $0xC000;
	s1 =	sadd.s32 $0x10, s0  }
0x145: {  	[hbm4b:s1+s15] =	stream.strided.scatter [tilespmem:s23], [sflag:$0x4], $0x1000, s16, s15, $0x38;
	[tilespmem:$0x10000] =	vst v63  }
0x146: {  	s25 =	simm.s32 $0xD000;
	p0 =	seq.s32 s30, $0x1F;
	s24 =	sadd.s32 $0x20010, s0  }
0x147: {  	[hbm4b:s24+s15] =	stream.strided.scatter [tilespmem:s25], [sflag:$0x4], $0x1000, s16, s15, $0x38;
	[tilespmem:$0x10000] =	vst v63  }
.Ltmp7:
0x148: {  	_ = 	snop;
	(pc) =	sbr.rel @p0 .LBB2_12-.Ltmp7, $4  }
0x149: {  	s28 =	simm.s32 $0xE000;
	s26 =	sadd.s32 $0x40010, s0  }
0x14a: {  	[hbm4b:s26+s15] =	stream.strided.scatter [tilespmem:s28], [sflag:$0x4], $0x1000, s16, s15, $0x38;
	[tilespmem:$0x10000] =	vst v63  }
0x14b: {  	s29 =	simm.s32 $0xF000;
	s0 =	sadd.s32 $0x60010, s0  }
0x14c: {  	[hbm4b:s0+s15] =	stream.strided.scatter [tilespmem:s29], [sflag:$0x4], $0x1000, s16, s15, $0x38;
	[tilespmem:$0x10000] =	vst v63  }
0x14d: {  	s0 =	rddreg [dreg:$0x8]  }
0x14e: {  	s0 =	sadd.s32 s31, s0  }
.Ltmp8:
0x14f: {  	s1 =	rddreg [dreg:$0x3];
	s0 =	sshll.u32 s0, $0x10;
	(pc) =	sbr.rel .LBB2_2-.Ltmp8, $4  }
0x150: {  	s0 =	sadd.s32 s1, s0  }
0x151: {  	s29 =	rddreg [dreg:$0x0];
	s2 =	simm.s32 $0x4000;
	s0 =	sshrl.u32 s0, $0x3  }
0x152: {  	s30 =	sadd.s32 $0x1, s30;
	s31 =	simm.s32 $0x0;
	s0 =	sadd.s32 s29, s0  }
0x153: {  	[tilespmem:s2], [sflag:$0x2] =	stream.linear.gather [hbm4b:s0+s31], $0x4000, $0x38;
	[tilespmem:$0x10000] =	vst v63  }
.LBB2_13:
0x154: {  	_ =	sfence.sel $0x180000  }
0x155: {  	[bflag:$0x0] =	sbarrier.arrive $0xFFFF  }
0x156: {  	_ =	strace $0x90000047  }
0x157: {  	s0 =	stileid.u32;
	[bflag:$0x2] =	sbarrier.arrive $0xFFFF  }
0x158: {  	p0 =	sne.s32 s0, $0x0;
	s0 =	rddreg [dreg:$0x2]  }
0x159: {  	s0 =	sadd.s32 @!p0 $0x100000, s0  }
0x15a: {  	[sflag:s0] =	ssyncadd.tile.s32 @!p0 $0x1;
	_ =	shalt  }
.Lfunc_end2:
_tile_overlayer_lowered:
.L_overlay_start_2:
0x15b: {  	(tag) =	ssettag $0x2  }
0x15c: {  	s0 =	rddreg [dreg:$0x0];
	s2 =	stileid.u32  }
0x15d: {  	s1 =	rddreg [dreg:$0x1];
	p0 =	sne.s32 s2, $0x0  }
0x15e: {  	s3 =	rddreg [dreg:$0x2];
	[bflag:$0x3] =	sbarrier.arrive $0xFFFF;
	s2 =	simm.s32 @!p0 $0x1C05  }
0x15f: {  	[timem:s3], [sflag:s2] =	dma.local @!p0 [hbm:s0], s1  }
0x160: {  	s0 =	simm.s32 @!p0 $0x5  }
0x161: {  	_ =	swait.ge @!p0 [sflag:s0], s1  }
0x162: {  	s1 =	ssub.s32 @!p0 $0x0, s1;
	[sflag:s0] =	ssyncset.done @!p0 $0x0  }
0x163: {  	[sflag:s0] =	ssyncadd.s32 @!p0 s1  }
0x164: {  	[bflag:$0x3] =	sbarrier.arrive $0xFFFF  }
0x165: {  	_ =	shalt  }

</sc_bundles>
